<compile_context>
chip_gen: v7x
topology: tpu7x:2x2x1
jax: 0.10.2.dev20260603
libtpu: 0.0.44.dev20260713+nightly
codegen_flags: <defaults>
</compile_context>

<pallas_src>
import functools

import jax
import jax.numpy as jnp
from jax import lax
from jax.experimental import pallas as pl
from jax.experimental.pallas import tpu as pltpu
from jax.experimental.pallas import tpu_sc as plsc

N_NODES = 10000
HIDDEN = 128
OUT_DIM = 1
NUM_GRAPHS = 256

NC = 2
NS = 16
NW = NC * NS
RPW = 320
NCHUNK = 3
DUMMY = NUM_GRAPHS
ACC_ROWS = 384
ZROWS = ACC_ROWS // NS
LAST_W = NW - 1


def _zero_stripe(hbuf, acc, s):
    zero16 = jnp.zeros((16,), jnp.float32)

    def body(r, _):
        for j in range(HIDDEN // 16):
            hbuf[r, pl.ds(j * 16, 16)] = zero16
        return 0

    lax.fori_loop(0, ZROWS, body, 0)
    pltpu.sync_copy(hbuf.at[pl.ds(0, ZROWS)],
                    acc.at[pl.ds(s * ZROWS, ZROWS)])


def _sc_segment_sum(h_v, batch):
    mesh = plsc.VectorSubcoreMesh(core_axis_name="c", subcore_axis_name="s",
                                  num_cores=NC, num_subcores=NS)

    @functools.partial(
        pl.kernel,
        out_type=jax.ShapeDtypeStruct((NC, NUM_GRAPHS, HIDDEN), jnp.float32),
        mesh=mesh,
        scratch_types=[
            pltpu.VMEM((NCHUNK * 128, HIDDEN), jnp.float32),
            pltpu.VMEM((NCHUNK, 128), jnp.int32),
            pltpu.VMEM_SHARED((ACC_ROWS, HIDDEN), jnp.float32),
            pltpu.SemaphoreType.DMA,
            pltpu.SemaphoreType.DMA,
            pltpu.SemaphoreType.DMA,
            pltpu.SemaphoreType.DMA,
            pltpu.SemaphoreType.DMA,
        ],
    )
    def seg_sum(h_hbm, b_hbm, sums_out,
                hbuf, idxbuf, acc,
                s0, s1, s2, isem, ssem):
        c = lax.axis_index("c")
        s = lax.axis_index("s")
        w = c * NS + s
        base = w * RPW
        hsems = [s0, s1, s2]
        dummy16 = jnp.full((16,), DUMMY, jnp.int32)
        LB = N_NODES - 128
        PRE = RPW * LAST_W - LB

        @pl.when(w < LAST_W)
        def _():
            icp = [pltpu.async_copy(b_hbm.at[pl.ds(base + j * 128, 128)],
                                    idxbuf.at[j], isem)
                   for j in range(NCHUNK)]
            _zero_stripe(hbuf, acc, s)
            for cp in icp:
                cp.wait()
            for k in range((RPW - 256) // 16, 128 // 16):
                idxbuf[NCHUNK - 1, pl.ds(k * 16, 16)] = dummy16

        @pl.when(w == LAST_W)
        def _():
            icp = pltpu.async_copy(b_hbm.at[pl.ds(LB, 128)], idxbuf.at[0],
                                   isem)
            _zero_stripe(hbuf, acc, s)
            icp.wait()
            for k in range(PRE // 16):
                idxbuf[0, pl.ds(k * 16, 16)] = dummy16

        plsc.subcore_barrier()

        @pl.when(w < LAST_W)
        def _():
            h_cps = [pltpu.async_copy(
                h_hbm.at[pl.ds(base + j * 128, 128)],
                hbuf.at[pl.ds(j * 128, 128)], hsems[j])
                for j in range(NCHUNK)]
            sc_cps = []
            for j in range(NCHUNK):
                h_cps[j].wait()
                sc_cps.append(pltpu.async_copy(
                    hbuf.at[pl.ds(j * 128, 128)],
                    acc.at[idxbuf.at[j]], ssem, add=True))
            for cp in sc_cps:
                cp.wait()

        @pl.when(w == LAST_W)
        def _():
            pltpu.async_copy(h_hbm.at[pl.ds(LB, 128)],
                             hbuf.at[pl.ds(0, 128)], s0).wait()
            pltpu.async_copy(hbuf.at[pl.ds(0, 128)],
                             acc.at[idxbuf.at[0]], ssem, add=True).wait()

        plsc.subcore_barrier()

        pltpu.sync_copy(acc.at[pl.ds(s * 16, 16)],
                        sums_out.at[c, pl.ds(s * 16, 16)])

    return seg_sum(h_v, batch)


def _counts_kernel(b_ref, out_ref):
    seg = lax.broadcasted_iota(jnp.int32, (NUM_GRAPHS, 1), 0)
    onehot = (b_ref[...] == seg).astype(jnp.float32)
    out_ref[...] = jnp.sum(onehot, axis=1, keepdims=True)


def _mlp_kernel(s_ref, c_ref, w1_ref, b1_ref, w2_ref, b2_ref, w3_ref, b3_ref,
                out_ref):
    sums = s_ref[0] + s_ref[1]
    counts = c_ref[...]
    pooled = sums / jnp.maximum(counts, 1.0)
    x = jnp.maximum(
        jnp.dot(pooled, w1_ref[...], preferred_element_type=jnp.float32)
        + b1_ref[...], 0.0)
    x = jnp.maximum(
        jnp.dot(x, w2_ref[...], preferred_element_type=jnp.float32)
        + b2_ref[...], 0.0)
    pred = jnp.dot(x, w3_ref[...], preferred_element_type=jnp.float32) \
        + b3_ref[...]
    pred = jnp.where(counts > 0.0, pred, 0.0)
    r = lax.broadcasted_iota(jnp.int32, (NUM_GRAPHS, NUM_GRAPHS), 0)
    q = lax.broadcasted_iota(jnp.int32, (NUM_GRAPHS, NUM_GRAPHS), 1)
    eye = (r == q).astype(jnp.float32)
    out_ref[...] = lax.dot_general(
        pred, eye, dimension_numbers=(((0,), (0,)), ((), ())),
        preferred_element_type=jnp.float32)


def kernel(h_v, edge_index, batch, W1, b1, W2, b2, W3, b3):
    del edge_index
    b32 = batch.astype(jnp.int32)
    counts = pl.pallas_call(
        _counts_kernel,
        out_shape=jax.ShapeDtypeStruct((NUM_GRAPHS, 1), jnp.float32),
    )(b32.reshape(1, N_NODES))
    sums = _sc_segment_sum(h_v, b32)
    pred_row = pl.pallas_call(
        _mlp_kernel,
        out_shape=jax.ShapeDtypeStruct((1, NUM_GRAPHS), jnp.float32),
    )(sums, counts, W1, b1.reshape(1, HIDDEN), W2, b2.reshape(1, HIDDEN),
      W3, b3.reshape(1, OUT_DIM))
    return pred_row.reshape(NUM_GRAPHS, OUT_DIM)

# --- scband reference (transcript-rebuilt; emitter-appended) ---
"""Pipeline reference for scband-global-readout-57518202028474 (READ-ONLY COPY).

The authoritative reference and input builder live on the scoring server;
editing this copy changes nothing except your own understanding.
"""

import jax, jax.numpy as jnp
import numpy as np

N_NODES = 10000
N_EDGES = 320000
HIDDEN = 128
OUT_DIM = 1
NUM_GRAPHS = 256


def setup_inputs(seed: int = 0) -> dict:
    key = jax.random.key(seed)
    k1, k2, k3, k4, k5, k6, k7 = jax.random.split(key, 7)
    h_v = jax.random.normal(k1, (N_NODES, HIDDEN), dtype=jnp.float32)
    edge_index = jax.random.randint(k2, (2, N_EDGES), 0, N_NODES)
    batch = jnp.sort(jax.random.randint(k3, (N_NODES,), 0, NUM_GRAPHS))
    # MLP params (3 layers: Linear->ReLU->Linear->ReLU->Linear), dropout inert in eval
    W1 = jax.random.normal(k4, (HIDDEN, HIDDEN), dtype=jnp.float32) * (1.0 / np.sqrt(HIDDEN))
    b1 = jnp.zeros((HIDDEN,), dtype=jnp.float32)
    W2 = jax.random.normal(k5, (HIDDEN, HIDDEN), dtype=jnp.float32) * (1.0 / np.sqrt(HIDDEN))
    b2 = jnp.zeros((HIDDEN,), dtype=jnp.float32)
    W3 = jax.random.normal(k6, (HIDDEN, OUT_DIM), dtype=jnp.float32) * (1.0 / np.sqrt(HIDDEN))
    b3 = jnp.zeros((OUT_DIM,), dtype=jnp.float32)
    return {"h_v": h_v, "edge_index": edge_index, "batch": batch,
            "W1": W1, "b1": b1, "W2": W2, "b2": b2, "W3": W3, "b3": b3}


def reference(h_v, edge_index, batch, W1, b1, W2, b2, W3, b3):
    # Per-graph mean pooling over nodes (all nodes have nodes_with_edge=True in original).
    counts = jax.ops.segment_sum(jnp.ones((h_v.shape[0],), dtype=h_v.dtype), batch,
                                 num_segments=NUM_GRAPHS)
    sums = jax.ops.segment_sum(h_v, batch, num_segments=NUM_GRAPHS)
    pooled = sums / jnp.maximum(counts, 1.0)[:, None]
    # MLP (eval mode: dropout is identity)
    x = jax.nn.relu(pooled @ W1 + b1)
    x = jax.nn.relu(x @ W2 + b2)
    pred = x @ W3 + b3
    # Graphs with zero nodes get zero prediction, matching the torch fallback branch.
    pred = jnp.where((counts > 0)[:, None], pred, jnp.zeros_like(pred))
    return pred

if __name__ == "__main__":
    import jax
    _d = setup_inputs()
    print(jax.jit(kernel)(*tuple(_d.values())))

</pallas_src>

<mosaic_0001>
#map = affine_map<(d0, d1) -> (0, 0)>
#map1 = affine_map<(d0, d1) -> (0)>
#map2 = affine_map<(d0, d1) -> (0, 0, 0)>
module attributes {stable_mosaic.version = 14 : i64} {
  func.func @seg_sum(%arg0: i32, %arg1: i32, %arg2: memref<10000x128xf32, #tpu.memory_space<hbm>>, %arg3: memref<10000xi32, #tpu.memory_space<hbm>>, %arg4: memref<2x256x128xf32, #tpu.memory_space<hbm>>, %arg5: memref<384x128xf32, #tpu.memory_space<vmem>>, %arg6: memref<3x128xi32, #tpu.memory_space<vmem>>, %arg7: memref<384x128xf32, #tpu.memory_space<vmem_shared>>, %arg8: memref<!tpu.dma_semaphore, #tpu.memory_space<semaphore_mem>>, %arg9: memref<!tpu.dma_semaphore, #tpu.memory_space<semaphore_mem>>, %arg10: memref<!tpu.dma_semaphore, #tpu.memory_space<semaphore_mem>>, %arg11: memref<!tpu.dma_semaphore, #tpu.memory_space<semaphore_mem>>, %arg12: memref<!tpu.dma_semaphore, #tpu.memory_space<semaphore_mem>>) attributes {dimension_semantics = [#tpu.dimension_semantics<core_parallel>, #tpu.dimension_semantics<subcore_parallel>], iteration_bounds = array<i64: 2, 16>, scalar_prefetch = 0 : i64, scratch_operands = 8 : i64, tpu.core_type = #tpu.core_type<sc_vector_subcore>, window_params = [{transform_indices = #map}, {transform_indices = #map1}, {transform_indices = #map2}]} {
    %mul3A = arith.constant 16 : i32
    %mul3A_0 = arith.muli %arg0, %mul3A : i32
    %add3A = arith.addi %mul3A_0, %arg1 : i32
    %mul3A_1 = arith.constant 320 : i32
    %mul3A_2 = arith.muli %add3A, %mul3A_1 : i32
    %broadcast_in_dim3A = arith.constant 256 : i32
    %broadcast_in_dim3A_3 = vector.broadcast %broadcast_in_dim3A : i32 to vector<16xi32>
    %lt3A = arith.constant 31 : i32
    %lt3A_4 = arith.cmpi slt, %add3A, %lt3A : i32
    %convert_element_type3A = arith.extui %lt3A_4 : i1 to i32
    %cond3A = arith.constant 0 : i32
    %cond3A_5 = arith.cmpi ne, %convert_element_type3A, %cond3A : i32
    scf.if %cond3A_5 {
      %add3A_25 = arith.constant 0 : i32
      %add3A_26 = arith.addi %mul3A_2, %add3A_25 : i32
      %dma_start3A = arith.constant 0 : i32
      %dma_start3A_27 = arith.constant 0 : i32
      %dma_start3A_28 = tpu.memref_slice %arg6[%dma_start3A, %dma_start3A_27] : memref<3x128xi32, #tpu.memory_space<vmem>> -> memref<1x128xi32, #tpu.memory_space<vmem>>
      %dma_start3A_29 = tpu.memref_squeeze %dma_start3A_28 : memref<1x128xi32, #tpu.memory_space<vmem>> -> memref<128xi32, #tpu.memory_space<vmem>>
      %dma_start3A_30 = tpu.memref_slice %arg3[%add3A_26] : memref<10000xi32, #tpu.memory_space<hbm>> -> memref<128xi32, #tpu.memory_space<hbm>>
      %dma_start3A_31 = arith.constant 0 : i32
      %dma_start3A_32 = tpu.memref_slice %arg6[%dma_start3A, %dma_start3A_31] : memref<3x128xi32, #tpu.memory_space<vmem>> -> memref<1x128xi32, #tpu.memory_space<vmem>>
      %dma_start3A_33 = tpu.memref_squeeze %dma_start3A_32 : memref<1x128xi32, #tpu.memory_space<vmem>> -> memref<128xi32, #tpu.memory_space<vmem>>
      %dma_start3A_34 = tpu.memref_slice %arg3[%add3A_26] : memref<10000xi32, #tpu.memory_space<hbm>> -> memref<128xi32, #tpu.memory_space<hbm>>
      tpu.enqueue_dma source(%dma_start3A_34 : memref<128xi32, #tpu.memory_space<hbm>>) target(%dma_start3A_33 : memref<128xi32, #tpu.memory_space<vmem>>) target_semaphore(%arg11 : memref<!tpu.dma_semaphore, #tpu.memory_space<semaphore_mem>>)
      %add3A_35 = arith.constant 128 : i32
      %add3A_36 = arith.addi %mul3A_2, %add3A_35 : i32
      %dma_start3A_37 = arith.constant 1 : i32
      %dma_start3A_38 = arith.constant 0 : i32
      %dma_start3A_39 = tpu.memref_slice %arg6[%dma_start3A_37, %dma_start3A_38] : memref<3x128xi32, #tpu.memory_space<vmem>> -> memref<1x128xi32, #tpu.memory_space<vmem>>
      %dma_start3A_40 = tpu.memref_squeeze %dma_start3A_39 : memref<1x128xi32, #tpu.memory_space<vmem>> -> memref<128xi32, #tpu.memory_space<vmem>>
      %dma_start3A_41 = tpu.memref_slice %arg3[%add3A_36] : memref<10000xi32, #tpu.memory_space<hbm>> -> memref<128xi32, #tpu.memory_space<hbm>>
      %dma_start3A_42 = arith.constant 0 : i32
      %dma_start3A_43 = tpu.memref_slice %arg6[%dma_start3A_37, %dma_start3A_42] : memref<3x128xi32, #tpu.memory_space<vmem>> -> memref<1x128xi32, #tpu.memory_space<vmem>>
      %dma_start3A_44 = tpu.memref_squeeze %dma_start3A_43 : memref<1x128xi32, #tpu.memory_space<vmem>> -> memref<128xi32, #tpu.memory_space<vmem>>
      %dma_start3A_45 = tpu.memref_slice %arg3[%add3A_36] : memref<10000xi32, #tpu.memory_space<hbm>> -> memref<128xi32, #tpu.memory_space<hbm>>
      tpu.enqueue_dma source(%dma_start3A_45 : memref<128xi32, #tpu.memory_space<hbm>>) target(%dma_start3A_44 : memref<128xi32, #tpu.memory_space<vmem>>) target_semaphore(%arg11 : memref<!tpu.dma_semaphore, #tpu.memory_space<semaphore_mem>>)
      %add3A_46 = arith.constant 256 : i32
      %add3A_47 = arith.addi %mul3A_2, %add3A_46 : i32
      %dma_start3A_48 = arith.constant 2 : i32
      %dma_start3A_49 = arith.constant 0 : i32
      %dma_start3A_50 = tpu.memref_slice %arg6[%dma_start3A_48, %dma_start3A_49] : memref<3x128xi32, #tpu.memory_space<vmem>> -> memref<1x128xi32, #tpu.memory_space<vmem>>
      %dma_start3A_51 = tpu.memref_squeeze %dma_start3A_50 : memref<1x128xi32, #tpu.memory_space<vmem>> -> memref<128xi32, #tpu.memory_space<vmem>>
      %dma_start3A_52 = tpu.memref_slice %arg3[%add3A_47] : memref<10000xi32, #tpu.memory_space<hbm>> -> memref<128xi32, #tpu.memory_space<hbm>>
      %dma_start3A_53 = arith.constant 0 : i32
      %dma_start3A_54 = tpu.memref_slice %arg6[%dma_start3A_48, %dma_start3A_53] : memref<3x128xi32, #tpu.memory_space<vmem>> -> memref<1x128xi32, #tpu.memory_space<vmem>>
      %dma_start3A_55 = tpu.memref_squeeze %dma_start3A_54 : memref<1x128xi32, #tpu.memory_space<vmem>> -> memref<128xi32, #tpu.memory_space<vmem>>
      %dma_start3A_56 = tpu.memref_slice %arg3[%add3A_47] : memref<10000xi32, #tpu.memory_space<hbm>> -> memref<128xi32, #tpu.memory_space<hbm>>
      tpu.enqueue_dma source(%dma_start3A_56 : memref<128xi32, #tpu.memory_space<hbm>>) target(%dma_start3A_55 : memref<128xi32, #tpu.memory_space<vmem>>) target_semaphore(%arg11 : memref<!tpu.dma_semaphore, #tpu.memory_space<semaphore_mem>>)
      %broadcast_in_dim3A_57 = arith.constant 0.000000e+00 : f32
      %broadcast_in_dim3A_58 = vector.broadcast %broadcast_in_dim3A_57 : f32 to vector<16xf32>
      %scan3A = arith.constant 0 : i32
      %scan3A_59 = arith.constant 0 : i32
      %scan3A_60 = arith.constant 24 : i32
      %scan3A_61 = arith.addi %scan3A_59, %scan3A_60 : i32
      %scan3A_62 = arith.constant 1 : i32
      %scan3A_63 = scf.for %scan3A_116 = %scan3A_59 to %scan3A_61 step %scan3A_62 iter_args(%scan3A_117 = %scan3A) -> (i32)  : i32 {
        %swap3A_118 = arith.index_cast %scan3A_116 : i32 to index
        %swap3A_119 = arith.constant 0 : index
        %swap3A_120 = tpu.vector_load %arg5[%swap3A_118, %swap3A_119] {strides = array<i32>} : memref<384x128xf32, #tpu.memory_space<vmem>>, vector<1x16xf32>,
        %swap3A_121 = vector.shape_cast %swap3A_120 : vector<1x16xf32> to vector<16xf32>
        %swap3A_122 = vector.shape_cast %broadcast_in_dim3A_58 : vector<16xf32> to vector<1x16xf32>
        tpu.vector_store %arg5[%swap3A_118, %swap3A_119], %swap3A_122 {strides = array<i32>} : memref<384x128xf32, #tpu.memory_space<vmem>>, vector<1x16xf32>,
        %swap3A_123 = arith.index_cast %scan3A_116 : i32 to index
        %swap3A_124 = arith.constant 16 : index
        %swap3A_125 = tpu.vector_load %arg5[%swap3A_123, %swap3A_124] {strides = array<i32>} : memref<384x128xf32, #tpu.memory_space<vmem>>, vector<1x16xf32>,
        %swap3A_126 = vector.shape_cast %swap3A_125 : vector<1x16xf32> to vector<16xf32>
        %swap3A_127 = vector.shape_cast %broadcast_in_dim3A_58 : vector<16xf32> to vector<1x16xf32>
        tpu.vector_store %arg5[%swap3A_123, %swap3A_124], %swap3A_127 {strides = array<i32>} : memref<384x128xf32, #tpu.memory_space<vmem>>, vector<1x16xf32>,
        %swap3A_128 = arith.index_cast %scan3A_116 : i32 to index
        %swap3A_129 = arith.constant 32 : index
        %swap3A_130 = tpu.vector_load %arg5[%swap3A_128, %swap3A_129] {strides = array<i32>} : memref<384x128xf32, #tpu.memory_space<vmem>>, vector<1x16xf32>,
        %swap3A_131 = vector.shape_cast %swap3A_130 : vector<1x16xf32> to vector<16xf32>
        %swap3A_132 = vector.shape_cast %broadcast_in_dim3A_58 : vector<16xf32> to vector<1x16xf32>
        tpu.vector_store %arg5[%swap3A_128, %swap3A_129], %swap3A_132 {strides = array<i32>} : memref<384x128xf32, #tpu.memory_space<vmem>>, vector<1x16xf32>,
        %swap3A_133 = arith.index_cast %scan3A_116 : i32 to index
        %swap3A_134 = arith.constant 48 : index
        %swap3A_135 = tpu.vector_load %arg5[%swap3A_133, %swap3A_134] {strides = array<i32>} : memref<384x128xf32, #tpu.memory_space<vmem>>, vector<1x16xf32>,
        %swap3A_136 = vector.shape_cast %swap3A_135 : vector<1x16xf32> to vector<16xf32>
        %swap3A_137 = vector.shape_cast %broadcast_in_dim3A_58 : vector<16xf32> to vector<1x16xf32>
        tpu.vector_store %arg5[%swap3A_133, %swap3A_134], %swap3A_137 {strides = array<i32>} : memref<384x128xf32, #tpu.memory_space<vmem>>, vector<1x16xf32>,
        %swap3A_138 = arith.index_cast %scan3A_116 : i32 to index
        %swap3A_139 = arith.constant 64 : index
        %swap3A_140 = tpu.vector_load %arg5[%swap3A_138, %swap3A_139] {strides = array<i32>} : memref<384x128xf32, #tpu.memory_space<vmem>>, vector<1x16xf32>,
        %swap3A_141 = vector.shape_cast %swap3A_140 : vector<1x16xf32> to vector<16xf32>
        %swap3A_142 = vector.shape_cast %broadcast_in_dim3A_58 : vector<16xf32> to vector<1x16xf32>
        tpu.vector_store %arg5[%swap3A_138, %swap3A_139], %swap3A_142 {strides = array<i32>} : memref<384x128xf32, #tpu.memory_space<vmem>>, vector<1x16xf32>,
        %swap3A_143 = arith.index_cast %scan3A_116 : i32 to index
        %swap3A_144 = arith.constant 80 : index
        %swap3A_145 = tpu.vector_load %arg5[%swap3A_143, %swap3A_144] {strides = array<i32>} : memref<384x128xf32, #tpu.memory_space<vmem>>, vector<1x16xf32>,
        %swap3A_146 = vector.shape_cast %swap3A_145 : vector<1x16xf32> to vector<16xf32>
        %swap3A_147 = vector.shape_cast %broadcast_in_dim3A_58 : vector<16xf32> to vector<1x16xf32>
        tpu.vector_store %arg5[%swap3A_143, %swap3A_144], %swap3A_147 {strides = array<i32>} : memref<384x128xf32, #tpu.memory_space<vmem>>, vector<1x16xf32>,
        %swap3A_148 = arith.index_cast %scan3A_116 : i32 to index
        %swap3A_149 = arith.constant 96 : index
        %swap3A_150 = tpu.vector_load %arg5[%swap3A_148, %swap3A_149] {strides = array<i32>} : memref<384x128xf32, #tpu.memory_space<vmem>>, vector<1x16xf32>,
        %swap3A_151 = vector.shape_cast %swap3A_150 : vector<1x16xf32> to vector<16xf32>
        %swap3A_152 = vector.shape_cast %broadcast_in_dim3A_58 : vector<16xf32> to vector<1x16xf32>
        tpu.vector_store %arg5[%swap3A_148, %swap3A_149], %swap3A_152 {strides = array<i32>} : memref<384x128xf32, #tpu.memory_space<vmem>>, vector<1x16xf32>,
        %swap3A_153 = arith.index_cast %scan3A_116 : i32 to index
        %swap3A_154 = arith.constant 112 : index
        %swap3A_155 = tpu.vector_load %arg5[%swap3A_153, %swap3A_154] {strides = array<i32>} : memref<384x128xf32, #tpu.memory_space<vmem>>, vector<1x16xf32>,
        %swap3A_156 = vector.shape_cast %swap3A_155 : vector<1x16xf32> to vector<16xf32>
        %swap3A_157 = vector.shape_cast %broadcast_in_dim3A_58 : vector<16xf32> to vector<1x16xf32>
        tpu.vector_store %arg5[%swap3A_153, %swap3A_154], %swap3A_157 {strides = array<i32>} : memref<384x128xf32, #tpu.memory_space<vmem>>, vector<1x16xf32>,
        %scan3A_158 = arith.constant 0 : i32
        scf.yield %scan3A_158 : i32
      }
      %scan3A_64 = arith.constant 24 : i32
      %mul3A_65 = arith.constant 24 : i32
      %mul3A_66 = arith.muli %arg1, %mul3A_65 : i32
      "tpu.region"() ({
        %run_scoped3A = tpu.sem_alloc : memref<!tpu.dma_semaphore, #tpu.memory_space<semaphore_mem>>
        %dma_start3A_116 = arith.constant 0 : i32
        %dma_start3A_117 = arith.constant 0 : i32
        %dma_start3A_118 = tpu.memref_slice %arg5[%dma_start3A_116, %dma_start3A_117] : memref<384x128xf32, #tpu.memory_space<vmem>> -> memref<24x128xf32, #tpu.memory_space<vmem>>
        %dma_start3A_119 = arith.constant 0 : i32
        %dma_start3A_120 = tpu.memref_slice %arg7[%mul3A_66, %dma_start3A_119] : memref<384x128xf32, #tpu.memory_space<vmem_shared>> -> memref<24x128xf32, #tpu.memory_space<vmem_shared>>
        %dma_start3A_121 = arith.constant 0 : i32
        %dma_start3A_122 = tpu.memref_slice %arg7[%mul3A_66, %dma_start3A_121] : memref<384x128xf32, #tpu.memory_space<vmem_shared>> -> memref<24x128xf32, #tpu.memory_space<vmem_shared>>
        %dma_start3A_123 = arith.constant 0 : i32
        %dma_start3A_124 = arith.constant 0 : i32
        %dma_start3A_125 = tpu.memref_slice %arg5[%dma_start3A_123, %dma_start3A_124] : memref<384x128xf32, #tpu.memory_space<vmem>> -> memref<24x128xf32, #tpu.memory_space<vmem>>
        tpu.enqueue_dma source(%dma_start3A_125 : memref<24x128xf32, #tpu.memory_space<vmem>>) target(%dma_start3A_122 : memref<24x128xf32, #tpu.memory_space<vmem_shared>>) target_semaphore(%run_scoped3A : memref<!tpu.dma_semaphore, #tpu.memory_space<semaphore_mem>>)
        %dma_wait3A_126 = arith.constant 0 : i32
        %dma_wait3A_127 = arith.constant 0 : i32
        %dma_wait3A_128 = tpu.memref_slice %arg5[%dma_wait3A_126, %dma_wait3A_127] : memref<384x128xf32, #tpu.memory_space<vmem>> -> memref<24x128xf32, #tpu.memory_space<vmem>>
        %dma_wait3A_129 = arith.constant 0 : i32
        %dma_wait3A_130 = tpu.memref_slice %arg7[%mul3A_66, %dma_wait3A_129] : memref<384x128xf32, #tpu.memory_space<vmem_shared>> -> memref<24x128xf32, #tpu.memory_space<vmem_shared>>
        %dma_wait3A_131 = arith.constant 0 : i32
        %dma_wait3A_132 = tpu.memref_slice %arg7[%mul3A_66, %dma_wait3A_131] : memref<384x128xf32, #tpu.memory_space<vmem_shared>> -> memref<24x128xf32, #tpu.memory_space<vmem_shared>>
        %dma_wait3A_133 = arith.constant 0 : i32
        %dma_wait3A_134 = arith.constant 0 : i32
        %dma_wait3A_135 = tpu.memref_slice %arg5[%dma_wait3A_133, %dma_wait3A_134] : memref<384x128xf32, #tpu.memory_space<vmem>> -> memref<24x128xf32, #tpu.memory_space<vmem>>
        tpu.wait_dma2 semaphore(%run_scoped3A : memref<!tpu.dma_semaphore, #tpu.memory_space<semaphore_mem>>) src(%dma_wait3A_135 : memref<24x128xf32, #tpu.memory_space<vmem>>) dst(%dma_wait3A_132 : memref<24x128xf32, #tpu.memory_space<vmem_shared>>)
        tpu.yield
      }) : () -> ()
      %dma_wait3A = arith.constant 0 : i32
      %dma_wait3A_67 = arith.constant 0 : i32
      %dma_wait3A_68 = tpu.memref_slice %arg6[%dma_wait3A, %dma_wait3A_67] : memref<3x128xi32, #tpu.memory_space<vmem>> -> memref<1x128xi32, #tpu.memory_space<vmem>>
      %dma_wait3A_69 = tpu.memref_squeeze %dma_wait3A_68 : memref<1x128xi32, #tpu.memory_space<vmem>> -> memref<128xi32, #tpu.memory_space<vmem>>
      %dma_wait3A_70 = tpu.memref_slice %arg3[%add3A_26] : memref<10000xi32, #tpu.memory_space<hbm>> -> memref<128xi32, #tpu.memory_space<hbm>>
      %dma_wait3A_71 = arith.constant 0 : i32
      %dma_wait3A_72 = tpu.memref_slice %arg6[%dma_wait3A, %dma_wait3A_71] : memref<3x128xi32, #tpu.memory_space<vmem>> -> memref<1x128xi32, #tpu.memory_space<vmem>>
      %dma_wait3A_73 = tpu.memref_squeeze %dma_wait3A_72 : memref<1x128xi32, #tpu.memory_space<vmem>> -> memref<128xi32, #tpu.memory_space<vmem>>
      %dma_wait3A_74 = tpu.memref_slice %arg3[%add3A_26] : memref<10000xi32, #tpu.memory_space<hbm>> -> memref<128xi32, #tpu.memory_space<hbm>>
      tpu.wait_dma2 semaphore(%arg11 : memref<!tpu.dma_semaphore, #tpu.memory_space<semaphore_mem>>) src(%dma_wait3A_74 : memref<128xi32, #tpu.memory_space<hbm>>) dst(%dma_wait3A_73 : memref<128xi32, #tpu.memory_space<vmem>>)
      %dma_wait3A_75 = arith.constant 1 : i32
      %dma_wait3A_76 = arith.constant 0 : i32
      %dma_wait3A_77 = tpu.memref_slice %arg6[%dma_wait3A_75, %dma_wait3A_76] : memref<3x128xi32, #tpu.memory_space<vmem>> -> memref<1x128xi32, #tpu.memory_space<vmem>>
      %dma_wait3A_78 = tpu.memref_squeeze %dma_wait3A_77 : memref<1x128xi32, #tpu.memory_space<vmem>> -> memref<128xi32, #tpu.memory_space<vmem>>
      %dma_wait3A_79 = tpu.memref_slice %arg3[%add3A_36] : memref<10000xi32, #tpu.memory_space<hbm>> -> memref<128xi32, #tpu.memory_space<hbm>>
      %dma_wait3A_80 = arith.constant 0 : i32
      %dma_wait3A_81 = tpu.memref_slice %arg6[%dma_wait3A_75, %dma_wait3A_80] : memref<3x128xi32, #tpu.memory_space<vmem>> -> memref<1x128xi32, #tpu.memory_space<vmem>>
      %dma_wait3A_82 = tpu.memref_squeeze %dma_wait3A_81 : memref<1x128xi32, #tpu.memory_space<vmem>> -> memref<128xi32, #tpu.memory_space<vmem>>
      %dma_wait3A_83 = tpu.memref_slice %arg3[%add3A_36] : memref<10000xi32, #tpu.memory_space<hbm>> -> memref<128xi32, #tpu.memory_space<hbm>>
      tpu.wait_dma2 semaphore(%arg11 : memref<!tpu.dma_semaphore, #tpu.memory_space<semaphore_mem>>) src(%dma_wait3A_83 : memref<128xi32, #tpu.memory_space<hbm>>) dst(%dma_wait3A_82 : memref<128xi32, #tpu.memory_space<vmem>>)
      %dma_wait3A_84 = arith.constant 2 : i32
      %dma_wait3A_85 = arith.constant 0 : i32
      %dma_wait3A_86 = tpu.memref_slice %arg6[%dma_wait3A_84, %dma_wait3A_85] : memref<3x128xi32, #tpu.memory_space<vmem>> -> memref<1x128xi32, #tpu.memory_space<vmem>>
      %dma_wait3A_87 = tpu.memref_squeeze %dma_wait3A_86 : memref<1x128xi32, #tpu.memory_space<vmem>> -> memref<128xi32, #tpu.memory_space<vmem>>
      %dma_wait3A_88 = tpu.memref_slice %arg3[%add3A_47] : memref<10000xi32, #tpu.memory_space<hbm>> -> memref<128xi32, #tpu.memory_space<hbm>>
      %dma_wait3A_89 = arith.constant 0 : i32
      %dma_wait3A_90 = tpu.memref_slice %arg6[%dma_wait3A_84, %dma_wait3A_89] : memref<3x128xi32, #tpu.memory_space<vmem>> -> memref<1x128xi32, #tpu.memory_space<vmem>>
      %dma_wait3A_91 = tpu.memref_squeeze %dma_wait3A_90 : memref<1x128xi32, #tpu.memory_space<vmem>> -> memref<128xi32, #tpu.memory_space<vmem>>
      %dma_wait3A_92 = tpu.memref_slice %arg3[%add3A_47] : memref<10000xi32, #tpu.memory_space<hbm>> -> memref<128xi32, #tpu.memory_space<hbm>>
      tpu.wait_dma2 semaphore(%arg11 : memref<!tpu.dma_semaphore, #tpu.memory_space<semaphore_mem>>) src(%dma_wait3A_92 : memref<128xi32, #tpu.memory_space<hbm>>) dst(%dma_wait3A_91 : memref<128xi32, #tpu.memory_space<vmem>>)
      %swap3A = arith.constant 2 : i32
      %swap3A_93 = arith.index_cast %swap3A : i32 to index
      %swap3A_94 = arith.constant 64 : index
      %swap3A_95 = tpu.vector_load %arg6[%swap3A_93, %swap3A_94] {strides = array<i32>} : memref<3x128xi32, #tpu.memory_space<vmem>>, vector<1x16xi32>,
      %swap3A_96 = vector.shape_cast %swap3A_95 : vector<1x16xi32> to vector<16xi32>
      %swap3A_97 = vector.shape_cast %broadcast_in_dim3A_3 : vector<16xi32> to vector<1x16xi32>
      tpu.vector_store %arg6[%swap3A_93, %swap3A_94], %swap3A_97 {strides = array<i32>} : memref<3x128xi32, #tpu.memory_space<vmem>>, vector<1x16xi32>,
      %swap3A_98 = arith.constant 2 : i32
      %swap3A_99 = arith.index_cast %swap3A_98 : i32 to index
      %swap3A_100 = arith.constant 80 : index
      %swap3A_101 = tpu.vector_load %arg6[%swap3A_99, %swap3A_100] {strides = array<i32>} : memref<3x128xi32, #tpu.memory_space<vmem>>, vector<1x16xi32>,
      %swap3A_102 = vector.shape_cast %swap3A_101 : vector<1x16xi32> to vector<16xi32>
      %swap3A_103 = vector.shape_cast %broadcast_in_dim3A_3 : vector<16xi32> to vector<1x16xi32>
      tpu.vector_store %arg6[%swap3A_99, %swap3A_100], %swap3A_103 {strides = array<i32>} : memref<3x128xi32, #tpu.memory_space<vmem>>, vector<1x16xi32>,
      %swap3A_104 = arith.constant 2 : i32
      %swap3A_105 = arith.index_cast %swap3A_104 : i32 to index
      %swap3A_106 = arith.constant 96 : index
      %swap3A_107 = tpu.vector_load %arg6[%swap3A_105, %swap3A_106] {strides = array<i32>} : memref<3x128xi32, #tpu.memory_space<vmem>>, vector<1x16xi32>,
      %swap3A_108 = vector.shape_cast %swap3A_107 : vector<1x16xi32> to vector<16xi32>
      %swap3A_109 = vector.shape_cast %broadcast_in_dim3A_3 : vector<16xi32> to vector<1x16xi32>
      tpu.vector_store %arg6[%swap3A_105, %swap3A_106], %swap3A_109 {strides = array<i32>} : memref<3x128xi32, #tpu.memory_space<vmem>>, vector<1x16xi32>,
      %swap3A_110 = arith.constant 2 : i32
      %swap3A_111 = arith.index_cast %swap3A_110 : i32 to index
      %swap3A_112 = arith.constant 112 : index
      %swap3A_113 = tpu.vector_load %arg6[%swap3A_111, %swap3A_112] {strides = array<i32>} : memref<3x128xi32, #tpu.memory_space<vmem>>, vector<1x16xi32>,
      %swap3A_114 = vector.shape_cast %swap3A_113 : vector<1x16xi32> to vector<16xi32>
      %swap3A_115 = vector.shape_cast %broadcast_in_dim3A_3 : vector<16xi32> to vector<1x16xi32>
      tpu.vector_store %arg6[%swap3A_111, %swap3A_112], %swap3A_115 {strides = array<i32>} : memref<3x128xi32, #tpu.memory_space<vmem>>, vector<1x16xi32>,
    } else {
    }
    %eq3A = arith.constant 31 : i32
    %eq3A_6 = arith.cmpi eq, %add3A, %eq3A : i32
    %convert_element_type3A_7 = arith.extui %eq3A_6 : i1 to i32
    %cond3A_8 = arith.constant 0 : i32
    %cond3A_9 = arith.cmpi ne, %convert_element_type3A_7, %cond3A_8 : i32
    scf.if %cond3A_9 {
      %dma_start3A = arith.constant 0 : i32
      %dma_start3A_25 = arith.constant 0 : i32
      %dma_start3A_26 = tpu.memref_slice %arg6[%dma_start3A, %dma_start3A_25] : memref<3x128xi32, #tpu.memory_space<vmem>> -> memref<1x128xi32, #tpu.memory_space<vmem>>
      %dma_start3A_27 = tpu.memref_squeeze %dma_start3A_26 : memref<1x128xi32, #tpu.memory_space<vmem>> -> memref<128xi32, #tpu.memory_space<vmem>>
      %dma_start3A_28 = arith.constant 9872 : i32
      %dma_start3A_29 = tpu.memref_slice %arg3[%dma_start3A_28] : memref<10000xi32, #tpu.memory_space<hbm>> -> memref<128xi32, #tpu.memory_space<hbm>>
      %dma_start3A_30 = arith.constant 0 : i32
      %dma_start3A_31 = tpu.memref_slice %arg6[%dma_start3A, %dma_start3A_30] : memref<3x128xi32, #tpu.memory_space<vmem>> -> memref<1x128xi32, #tpu.memory_space<vmem>>
      %dma_start3A_32 = tpu.memref_squeeze %dma_start3A_31 : memref<1x128xi32, #tpu.memory_space<vmem>> -> memref<128xi32, #tpu.memory_space<vmem>>
      %dma_start3A_33 = arith.constant 9872 : i32
      %dma_start3A_34 = tpu.memref_slice %arg3[%dma_start3A_33] : memref<10000xi32, #tpu.memory_space<hbm>> -> memref<128xi32, #tpu.memory_space<hbm>>
      tpu.enqueue_dma source(%dma_start3A_34 : memref<128xi32, #tpu.memory_space<hbm>>) target(%dma_start3A_32 : memref<128xi32, #tpu.memory_space<vmem>>) target_semaphore(%arg11 : memref<!tpu.dma_semaphore, #tpu.memory_space<semaphore_mem>>)
      %broadcast_in_dim3A_35 = arith.constant 0.000000e+00 : f32
      %broadcast_in_dim3A_36 = vector.broadcast %broadcast_in_dim3A_35 : f32 to vector<16xf32>
      %scan3A = arith.constant 0 : i32
      %scan3A_37 = arith.constant 0 : i32
      %scan3A_38 = arith.constant 24 : i32
      %scan3A_39 = arith.addi %scan3A_37, %scan3A_38 : i32
      %scan3A_40 = arith.constant 1 : i32
      %scan3A_41 = scf.for %scan3A_72 = %scan3A_37 to %scan3A_39 step %scan3A_40 iter_args(%scan3A_73 = %scan3A) -> (i32)  : i32 {
        %swap3A_74 = arith.index_cast %scan3A_72 : i32 to index
        %swap3A_75 = arith.constant 0 : index
        %swap3A_76 = tpu.vector_load %arg5[%swap3A_74, %swap3A_75] {strides = array<i32>} : memref<384x128xf32, #tpu.memory_space<vmem>>, vector<1x16xf32>,
        %swap3A_77 = vector.shape_cast %swap3A_76 : vector<1x16xf32> to vector<16xf32>
        %swap3A_78 = vector.shape_cast %broadcast_in_dim3A_36 : vector<16xf32> to vector<1x16xf32>
        tpu.vector_store %arg5[%swap3A_74, %swap3A_75], %swap3A_78 {strides = array<i32>} : memref<384x128xf32, #tpu.memory_space<vmem>>, vector<1x16xf32>,
        %swap3A_79 = arith.index_cast %scan3A_72 : i32 to index
        %swap3A_80 = arith.constant 16 : index
        %swap3A_81 = tpu.vector_load %arg5[%swap3A_79, %swap3A_80] {strides = array<i32>} : memref<384x128xf32, #tpu.memory_space<vmem>>, vector<1x16xf32>,
        %swap3A_82 = vector.shape_cast %swap3A_81 : vector<1x16xf32> to vector<16xf32>
        %swap3A_83 = vector.shape_cast %broadcast_in_dim3A_36 : vector<16xf32> to vector<1x16xf32>
        tpu.vector_store %arg5[%swap3A_79, %swap3A_80], %swap3A_83 {strides = array<i32>} : memref<384x128xf32, #tpu.memory_space<vmem>>, vector<1x16xf32>,
        %swap3A_84 = arith.index_cast %scan3A_72 : i32 to index
        %swap3A_85 = arith.constant 32 : index
        %swap3A_86 = tpu.vector_load %arg5[%swap3A_84, %swap3A_85] {strides = array<i32>} : memref<384x128xf32, #tpu.memory_space<vmem>>, vector<1x16xf32>,
        %swap3A_87 = vector.shape_cast %swap3A_86 : vector<1x16xf32> to vector<16xf32>
        %swap3A_88 = vector.shape_cast %broadcast_in_dim3A_36 : vector<16xf32> to vector<1x16xf32>
        tpu.vector_store %arg5[%swap3A_84, %swap3A_85], %swap3A_88 {strides = array<i32>} : memref<384x128xf32, #tpu.memory_space<vmem>>, vector<1x16xf32>,
        %swap3A_89 = arith.index_cast %scan3A_72 : i32 to index
        %swap3A_90 = arith.constant 48 : index
        %swap3A_91 = tpu.vector_load %arg5[%swap3A_89, %swap3A_90] {strides = array<i32>} : memref<384x128xf32, #tpu.memory_space<vmem>>, vector<1x16xf32>,
        %swap3A_92 = vector.shape_cast %swap3A_91 : vector<1x16xf32> to vector<16xf32>
        %swap3A_93 = vector.shape_cast %broadcast_in_dim3A_36 : vector<16xf32> to vector<1x16xf32>
        tpu.vector_store %arg5[%swap3A_89, %swap3A_90], %swap3A_93 {strides = array<i32>} : memref<384x128xf32, #tpu.memory_space<vmem>>, vector<1x16xf32>,
        %swap3A_94 = arith.index_cast %scan3A_72 : i32 to index
        %swap3A_95 = arith.constant 64 : index
        %swap3A_96 = tpu.vector_load %arg5[%swap3A_94, %swap3A_95] {strides = array<i32>} : memref<384x128xf32, #tpu.memory_space<vmem>>, vector<1x16xf32>,
        %swap3A_97 = vector.shape_cast %swap3A_96 : vector<1x16xf32> to vector<16xf32>
        %swap3A_98 = vector.shape_cast %broadcast_in_dim3A_36 : vector<16xf32> to vector<1x16xf32>
        tpu.vector_store %arg5[%swap3A_94, %swap3A_95], %swap3A_98 {strides = array<i32>} : memref<384x128xf32, #tpu.memory_space<vmem>>, vector<1x16xf32>,
        %swap3A_99 = arith.index_cast %scan3A_72 : i32 to index
        %swap3A_100 = arith.constant 80 : index
        %swap3A_101 = tpu.vector_load %arg5[%swap3A_99, %swap3A_100] {strides = array<i32>} : memref<384x128xf32, #tpu.memory_space<vmem>>, vector<1x16xf32>,
        %swap3A_102 = vector.shape_cast %swap3A_101 : vector<1x16xf32> to vector<16xf32>
        %swap3A_103 = vector.shape_cast %broadcast_in_dim3A_36 : vector<16xf32> to vector<1x16xf32>
        tpu.vector_store %arg5[%swap3A_99, %swap3A_100], %swap3A_103 {strides = array<i32>} : memref<384x128xf32, #tpu.memory_space<vmem>>, vector<1x16xf32>,
        %swap3A_104 = arith.index_cast %scan3A_72 : i32 to index
        %swap3A_105 = arith.constant 96 : index
        %swap3A_106 = tpu.vector_load %arg5[%swap3A_104, %swap3A_105] {strides = array<i32>} : memref<384x128xf32, #tpu.memory_space<vmem>>, vector<1x16xf32>,
        %swap3A_107 = vector.shape_cast %swap3A_106 : vector<1x16xf32> to vector<16xf32>
        %swap3A_108 = vector.shape_cast %broadcast_in_dim3A_36 : vector<16xf32> to vector<1x16xf32>
        tpu.vector_store %arg5[%swap3A_104, %swap3A_105], %swap3A_108 {strides = array<i32>} : memref<384x128xf32, #tpu.memory_space<vmem>>, vector<1x16xf32>,
        %swap3A_109 = arith.index_cast %scan3A_72 : i32 to index
        %swap3A_110 = arith.constant 112 : index
        %swap3A_111 = tpu.vector_load %arg5[%swap3A_109, %swap3A_110] {strides = array<i32>} : memref<384x128xf32, #tpu.memory_space<vmem>>, vector<1x16xf32>,
        %swap3A_112 = vector.shape_cast %swap3A_111 : vector<1x16xf32> to vector<16xf32>
        %swap3A_113 = vector.shape_cast %broadcast_in_dim3A_36 : vector<16xf32> to vector<1x16xf32>
        tpu.vector_store %arg5[%swap3A_109, %swap3A_110], %swap3A_113 {strides = array<i32>} : memref<384x128xf32, #tpu.memory_space<vmem>>, vector<1x16xf32>,
        %scan3A_114 = arith.constant 0 : i32
        scf.yield %scan3A_114 : i32
      }
      %scan3A_42 = arith.constant 24 : i32
      %mul3A_43 = arith.constant 24 : i32
      %mul3A_44 = arith.muli %arg1, %mul3A_43 : i32
      "tpu.region"() ({
        %run_scoped3A = tpu.sem_alloc : memref<!tpu.dma_semaphore, #tpu.memory_space<semaphore_mem>>
        %dma_start3A_72 = arith.constant 0 : i32
        %dma_start3A_73 = arith.constant 0 : i32
        %dma_start3A_74 = tpu.memref_slice %arg5[%dma_start3A_72, %dma_start3A_73] : memref<384x128xf32, #tpu.memory_space<vmem>> -> memref<24x128xf32, #tpu.memory_space<vmem>>
        %dma_start3A_75 = arith.constant 0 : i32
        %dma_start3A_76 = tpu.memref_slice %arg7[%mul3A_44, %dma_start3A_75] : memref<384x128xf32, #tpu.memory_space<vmem_shared>> -> memref<24x128xf32, #tpu.memory_space<vmem_shared>>
        %dma_start3A_77 = arith.constant 0 : i32
        %dma_start3A_78 = tpu.memref_slice %arg7[%mul3A_44, %dma_start3A_77] : memref<384x128xf32, #tpu.memory_space<vmem_shared>> -> memref<24x128xf32, #tpu.memory_space<vmem_shared>>
        %dma_start3A_79 = arith.constant 0 : i32
        %dma_start3A_80 = arith.constant 0 : i32
        %dma_start3A_81 = tpu.memref_slice %arg5[%dma_start3A_79, %dma_start3A_80] : memref<384x128xf32, #tpu.memory_space<vmem>> -> memref<24x128xf32, #tpu.memory_space<vmem>>
        tpu.enqueue_dma source(%dma_start3A_81 : memref<24x128xf32, #tpu.memory_space<vmem>>) target(%dma_start3A_78 : memref<24x128xf32, #tpu.memory_space<vmem_shared>>) target_semaphore(%run_scoped3A : memref<!tpu.dma_semaphore, #tpu.memory_space<semaphore_mem>>)
        %dma_wait3A_82 = arith.constant 0 : i32
        %dma_wait3A_83 = arith.constant 0 : i32
        %dma_wait3A_84 = tpu.memref_slice %arg5[%dma_wait3A_82, %dma_wait3A_83] : memref<384x128xf32, #tpu.memory_space<vmem>> -> memref<24x128xf32, #tpu.memory_space<vmem>>
        %dma_wait3A_85 = arith.constant 0 : i32
        %dma_wait3A_86 = tpu.memref_slice %arg7[%mul3A_44, %dma_wait3A_85] : memref<384x128xf32, #tpu.memory_space<vmem_shared>> -> memref<24x128xf32, #tpu.memory_space<vmem_shared>>
        %dma_wait3A_87 = arith.constant 0 : i32
        %dma_wait3A_88 = tpu.memref_slice %arg7[%mul3A_44, %dma_wait3A_87] : memref<384x128xf32, #tpu.memory_space<vmem_shared>> -> memref<24x128xf32, #tpu.memory_space<vmem_shared>>
        %dma_wait3A_89 = arith.constant 0 : i32
        %dma_wait3A_90 = arith.constant 0 : i32
        %dma_wait3A_91 = tpu.memref_slice %arg5[%dma_wait3A_89, %dma_wait3A_90] : memref<384x128xf32, #tpu.memory_space<vmem>> -> memref<24x128xf32, #tpu.memory_space<vmem>>
        tpu.wait_dma2 semaphore(%run_scoped3A : memref<!tpu.dma_semaphore, #tpu.memory_space<semaphore_mem>>) src(%dma_wait3A_91 : memref<24x128xf32, #tpu.memory_space<vmem>>) dst(%dma_wait3A_88 : memref<24x128xf32, #tpu.memory_space<vmem_shared>>)
        tpu.yield
      }) : () -> ()
      %dma_wait3A = arith.constant 0 : i32
      %dma_wait3A_45 = arith.constant 0 : i32
      %dma_wait3A_46 = tpu.memref_slice %arg6[%dma_wait3A, %dma_wait3A_45] : memref<3x128xi32, #tpu.memory_space<vmem>> -> memref<1x128xi32, #tpu.memory_space<vmem>>
      %dma_wait3A_47 = tpu.memref_squeeze %dma_wait3A_46 : memref<1x128xi32, #tpu.memory_space<vmem>> -> memref<128xi32, #tpu.memory_space<vmem>>
      %dma_wait3A_48 = arith.constant 9872 : i32
      %dma_wait3A_49 = tpu.memref_slice %arg3[%dma_wait3A_48] : memref<10000xi32, #tpu.memory_space<hbm>> -> memref<128xi32, #tpu.memory_space<hbm>>
      %dma_wait3A_50 = arith.constant 0 : i32
      %dma_wait3A_51 = tpu.memref_slice %arg6[%dma_wait3A, %dma_wait3A_50] : memref<3x128xi32, #tpu.memory_space<vmem>> -> memref<1x128xi32, #tpu.memory_space<vmem>>
      %dma_wait3A_52 = tpu.memref_squeeze %dma_wait3A_51 : memref<1x128xi32, #tpu.memory_space<vmem>> -> memref<128xi32, #tpu.memory_space<vmem>>
      %dma_wait3A_53 = arith.constant 9872 : i32
      %dma_wait3A_54 = tpu.memref_slice %arg3[%dma_wait3A_53] : memref<10000xi32, #tpu.memory_space<hbm>> -> memref<128xi32, #tpu.memory_space<hbm>>
      tpu.wait_dma2 semaphore(%arg11 : memref<!tpu.dma_semaphore, #tpu.memory_space<semaphore_mem>>) src(%dma_wait3A_54 : memref<128xi32, #tpu.memory_space<hbm>>) dst(%dma_wait3A_52 : memref<128xi32, #tpu.memory_space<vmem>>)
      %swap3A = arith.constant 0 : i32
      %swap3A_55 = arith.index_cast %swap3A : i32 to index
      %swap3A_56 = arith.constant 0 : index
      %swap3A_57 = tpu.vector_load %arg6[%swap3A_55, %swap3A_56] {strides = array<i32>} : memref<3x128xi32, #tpu.memory_space<vmem>>, vector<1x16xi32>,
      %swap3A_58 = vector.shape_cast %swap3A_57 : vector<1x16xi32> to vector<16xi32>
      %swap3A_59 = vector.shape_cast %broadcast_in_dim3A_3 : vector<16xi32> to vector<1x16xi32>
      tpu.vector_store %arg6[%swap3A_55, %swap3A_56], %swap3A_59 {strides = array<i32>} : memref<3x128xi32, #tpu.memory_space<vmem>>, vector<1x16xi32>,
      %swap3A_60 = arith.constant 0 : i32
      %swap3A_61 = arith.index_cast %swap3A_60 : i32 to index
      %swap3A_62 = arith.constant 16 : index
      %swap3A_63 = tpu.vector_load %arg6[%swap3A_61, %swap3A_62] {strides = array<i32>} : memref<3x128xi32, #tpu.memory_space<vmem>>, vector<1x16xi32>,
      %swap3A_64 = vector.shape_cast %swap3A_63 : vector<1x16xi32> to vector<16xi32>
      %swap3A_65 = vector.shape_cast %broadcast_in_dim3A_3 : vector<16xi32> to vector<1x16xi32>
      tpu.vector_store %arg6[%swap3A_61, %swap3A_62], %swap3A_65 {strides = array<i32>} : memref<3x128xi32, #tpu.memory_space<vmem>>, vector<1x16xi32>,
      %swap3A_66 = arith.constant 0 : i32
      %swap3A_67 = arith.index_cast %swap3A_66 : i32 to index
      %swap3A_68 = arith.constant 32 : index
      %swap3A_69 = tpu.vector_load %arg6[%swap3A_67, %swap3A_68] {strides = array<i32>} : memref<3x128xi32, #tpu.memory_space<vmem>>, vector<1x16xi32>,
      %swap3A_70 = vector.shape_cast %swap3A_69 : vector<1x16xi32> to vector<16xi32>
      %swap3A_71 = vector.shape_cast %broadcast_in_dim3A_3 : vector<16xi32> to vector<1x16xi32>
      tpu.vector_store %arg6[%swap3A_67, %swap3A_68], %swap3A_71 {strides = array<i32>} : memref<3x128xi32, #tpu.memory_space<vmem>>, vector<1x16xi32>,
    } else {
    }
    %barrier3A = arith.constant 0 : index
    tpu.barrier barrier_id(%barrier3A)
    %lt3A_10 = arith.constant 31 : i32
    %lt3A_11 = arith.cmpi slt, %add3A, %lt3A_10 : i32
    %convert_element_type3A_12 = arith.extui %lt3A_11 : i1 to i32
    %cond3A_13 = arith.constant 0 : i32
    %cond3A_14 = arith.cmpi ne, %convert_element_type3A_12, %cond3A_13 : i32
    scf.if %cond3A_14 {
      %add3A_25 = arith.constant 0 : i32
      %add3A_26 = arith.addi %mul3A_2, %add3A_25 : i32
      %dma_start3A = arith.constant 0 : i32
      %dma_start3A_27 = arith.constant 0 : i32
      %dma_start3A_28 = tpu.memref_slice %arg5[%dma_start3A, %dma_start3A_27] : memref<384x128xf32, #tpu.memory_space<vmem>> -> memref<128x128xf32, #tpu.memory_space<vmem>>
      %dma_start3A_29 = arith.constant 0 : i32
      %dma_start3A_30 = tpu.memref_slice %arg2[%add3A_26, %dma_start3A_29] : memref<10000x128xf32, #tpu.memory_space<hbm>> -> memref<128x128xf32, #tpu.memory_space<hbm>>
      %dma_start3A_31 = arith.constant 0 : i32
      %dma_start3A_32 = arith.constant 0 : i32
      %dma_start3A_33 = tpu.memref_slice %arg5[%dma_start3A_31, %dma_start3A_32] : memref<384x128xf32, #tpu.memory_space<vmem>> -> memref<128x128xf32, #tpu.memory_space<vmem>>
      %dma_start3A_34 = arith.constant 0 : i32
      %dma_start3A_35 = tpu.memref_slice %arg2[%add3A_26, %dma_start3A_34] : memref<10000x128xf32, #tpu.memory_space<hbm>> -> memref<128x128xf32, #tpu.memory_space<hbm>>
      tpu.enqueue_dma source(%dma_start3A_35 : memref<128x128xf32, #tpu.memory_space<hbm>>) target(%dma_start3A_33 : memref<128x128xf32, #tpu.memory_space<vmem>>) target_semaphore(%arg8 : memref<!tpu.dma_semaphore, #tpu.memory_space<semaphore_mem>>)
      %add3A_36 = arith.constant 128 : i32
      %add3A_37 = arith.addi %mul3A_2, %add3A_36 : i32
      %dma_start3A_38 = arith.constant 128 : i32
      %dma_start3A_39 = arith.constant 0 : i32
      %dma_start3A_40 = tpu.memref_slice %arg5[%dma_start3A_38, %dma_start3A_39] : memref<384x128xf32, #tpu.memory_space<vmem>> -> memref<128x128xf32, #tpu.memory_space<vmem>>
      %dma_start3A_41 = arith.constant 0 : i32
      %dma_start3A_42 = tpu.memref_slice %arg2[%add3A_37, %dma_start3A_41] : memref<10000x128xf32, #tpu.memory_space<hbm>> -> memref<128x128xf32, #tpu.memory_space<hbm>>
      %dma_start3A_43 = arith.constant 128 : i32
      %dma_start3A_44 = arith.constant 0 : i32
      %dma_start3A_45 = tpu.memref_slice %arg5[%dma_start3A_43, %dma_start3A_44] : memref<384x128xf32, #tpu.memory_space<vmem>> -> memref<128x128xf32, #tpu.memory_space<vmem>>
      %dma_start3A_46 = arith.constant 0 : i32
      %dma_start3A_47 = tpu.memref_slice %arg2[%add3A_37, %dma_start3A_46] : memref<10000x128xf32, #tpu.memory_space<hbm>> -> memref<128x128xf32, #tpu.memory_space<hbm>>
      tpu.enqueue_dma source(%dma_start3A_47 : memref<128x128xf32, #tpu.memory_space<hbm>>) target(%dma_start3A_45 : memref<128x128xf32, #tpu.memory_space<vmem>>) target_semaphore(%arg9 : memref<!tpu.dma_semaphore, #tpu.memory_space<semaphore_mem>>)
      %add3A_48 = arith.constant 256 : i32
      %add3A_49 = arith.addi %mul3A_2, %add3A_48 : i32
      %dma_start3A_50 = arith.constant 256 : i32
      %dma_start3A_51 = arith.constant 0 : i32
      %dma_start3A_52 = tpu.memref_slice %arg5[%dma_start3A_50, %dma_start3A_51] : memref<384x128xf32, #tpu.memory_space<vmem>> -> memref<128x128xf32, #tpu.memory_space<vmem>>
      %dma_start3A_53 = arith.constant 0 : i32
      %dma_start3A_54 = tpu.memref_slice %arg2[%add3A_49, %dma_start3A_53] : memref<10000x128xf32, #tpu.memory_space<hbm>> -> memref<128x128xf32, #tpu.memory_space<hbm>>
      %dma_start3A_55 = arith.constant 256 : i32
      %dma_start3A_56 = arith.constant 0 : i32
      %dma_start3A_57 = tpu.memref_slice %arg5[%dma_start3A_55, %dma_start3A_56] : memref<384x128xf32, #tpu.memory_space<vmem>> -> memref<128x128xf32, #tpu.memory_space<vmem>>
      %dma_start3A_58 = arith.constant 0 : i32
      %dma_start3A_59 = tpu.memref_slice %arg2[%add3A_49, %dma_start3A_58] : memref<10000x128xf32, #tpu.memory_space<hbm>> -> memref<128x128xf32, #tpu.memory_space<hbm>>
      tpu.enqueue_dma source(%dma_start3A_59 : memref<128x128xf32, #tpu.memory_space<hbm>>) target(%dma_start3A_57 : memref<128x128xf32, #tpu.memory_space<vmem>>) target_semaphore(%arg10 : memref<!tpu.dma_semaphore, #tpu.memory_space<semaphore_mem>>)
      %dma_wait3A = arith.constant 0 : i32
      %dma_wait3A_60 = arith.constant 0 : i32
      %dma_wait3A_61 = tpu.memref_slice %arg5[%dma_wait3A, %dma_wait3A_60] : memref<384x128xf32, #tpu.memory_space<vmem>> -> memref<128x128xf32, #tpu.memory_space<vmem>>
      %dma_wait3A_62 = arith.constant 0 : i32
      %dma_wait3A_63 = tpu.memref_slice %arg2[%add3A_26, %dma_wait3A_62] : memref<10000x128xf32, #tpu.memory_space<hbm>> -> memref<128x128xf32, #tpu.memory_space<hbm>>
      %dma_wait3A_64 = arith.constant 0 : i32
      %dma_wait3A_65 = arith.constant 0 : i32
      %dma_wait3A_66 = tpu.memref_slice %arg5[%dma_wait3A_64, %dma_wait3A_65] : memref<384x128xf32, #tpu.memory_space<vmem>> -> memref<128x128xf32, #tpu.memory_space<vmem>>
      %dma_wait3A_67 = arith.constant 0 : i32
      %dma_wait3A_68 = tpu.memref_slice %arg2[%add3A_26, %dma_wait3A_67] : memref<10000x128xf32, #tpu.memory_space<hbm>> -> memref<128x128xf32, #tpu.memory_space<hbm>>
      tpu.wait_dma2 semaphore(%arg8 : memref<!tpu.dma_semaphore, #tpu.memory_space<semaphore_mem>>) src(%dma_wait3A_68 : memref<128x128xf32, #tpu.memory_space<hbm>>) dst(%dma_wait3A_66 : memref<128x128xf32, #tpu.memory_space<vmem>>)
      %dma_start3A_69 = arith.constant 0 : i32
      %dma_start3A_70 = arith.constant 0 : i32
      %dma_start3A_71 = arith.constant 0 : i32
      %dma_start3A_72 = tpu.memref_slice %arg5[%dma_start3A_70, %dma_start3A_71] : memref<384x128xf32, #tpu.memory_space<vmem>> -> memref<128x128xf32, #tpu.memory_space<vmem>>
      %dma_start3A_73 = arith.constant 0 : i32
      %dma_start3A_74 = tpu.memref_slice %arg6[%dma_start3A_69, %dma_start3A_73] : memref<3x128xi32, #tpu.memory_space<vmem>> -> memref<1x128xi32, #tpu.memory_space<vmem>>
      %dma_start3A_75 = tpu.memref_squeeze %dma_start3A_74 : memref<1x128xi32, #tpu.memory_space<vmem>> -> memref<128xi32, #tpu.memory_space<vmem>>
      %dma_start3A_76 = arith.constant 0 : i32
      %dma_start3A_77 = arith.constant 0 : i32
      %dma_start3A_78 = tpu.memref_slice %arg7[%dma_start3A_76, %dma_start3A_77] : memref<384x128xf32, #tpu.memory_space<vmem_shared>> -> memref<384x128xf32, #tpu.memory_space<vmem_shared>>
      tpu.enqueue_indirect_dma source(%dma_start3A_72 : memref<128x128xf32, #tpu.memory_space<vmem>>) target(%dma_start3A_78 : memref<384x128xf32, #tpu.memory_space<vmem_shared>>) offsets(%dma_start3A_75 : memref<128xi32, #tpu.memory_space<vmem>>) semaphore(%arg12 : memref<!tpu.dma_semaphore, #tpu.memory_space<semaphore_mem>>) {add = true}
      %dma_wait3A_79 = arith.constant 128 : i32
      %dma_wait3A_80 = arith.constant 0 : i32
      %dma_wait3A_81 = tpu.memref_slice %arg5[%dma_wait3A_79, %dma_wait3A_80] : memref<384x128xf32, #tpu.memory_space<vmem>> -> memref<128x128xf32, #tpu.memory_space<vmem>>
      %dma_wait3A_82 = arith.constant 0 : i32
      %dma_wait3A_83 = tpu.memref_slice %arg2[%add3A_37, %dma_wait3A_82] : memref<10000x128xf32, #tpu.memory_space<hbm>> -> memref<128x128xf32, #tpu.memory_space<hbm>>
      %dma_wait3A_84 = arith.constant 128 : i32
      %dma_wait3A_85 = arith.constant 0 : i32
      %dma_wait3A_86 = tpu.memref_slice %arg5[%dma_wait3A_84, %dma_wait3A_85] : memref<384x128xf32, #tpu.memory_space<vmem>> -> memref<128x128xf32, #tpu.memory_space<vmem>>
      %dma_wait3A_87 = arith.constant 0 : i32
      %dma_wait3A_88 = tpu.memref_slice %arg2[%add3A_37, %dma_wait3A_87] : memref<10000x128xf32, #tpu.memory_space<hbm>> -> memref<128x128xf32, #tpu.memory_space<hbm>>
      tpu.wait_dma2 semaphore(%arg9 : memref<!tpu.dma_semaphore, #tpu.memory_space<semaphore_mem>>) src(%dma_wait3A_88 : memref<128x128xf32, #tpu.memory_space<hbm>>) dst(%dma_wait3A_86 : memref<128x128xf32, #tpu.memory_space<vmem>>)
      %dma_start3A_89 = arith.constant 1 : i32
      %dma_start3A_90 = arith.constant 128 : i32
      %dma_start3A_91 = arith.constant 0 : i32
      %dma_start3A_92 = tpu.memref_slice %arg5[%dma_start3A_90, %dma_start3A_91] : memref<384x128xf32, #tpu.memory_space<vmem>> -> memref<128x128xf32, #tpu.memory_space<vmem>>
      %dma_start3A_93 = arith.constant 0 : i32
      %dma_start3A_94 = tpu.memref_slice %arg6[%dma_start3A_89, %dma_start3A_93] : memref<3x128xi32, #tpu.memory_space<vmem>> -> memref<1x128xi32, #tpu.memory_space<vmem>>
      %dma_start3A_95 = tpu.memref_squeeze %dma_start3A_94 : memref<1x128xi32, #tpu.memory_space<vmem>> -> memref<128xi32, #tpu.memory_space<vmem>>
      %dma_start3A_96 = arith.constant 0 : i32
      %dma_start3A_97 = arith.constant 0 : i32
      %dma_start3A_98 = tpu.memref_slice %arg7[%dma_start3A_96, %dma_start3A_97] : memref<384x128xf32, #tpu.memory_space<vmem_shared>> -> memref<384x128xf32, #tpu.memory_space<vmem_shared>>
      tpu.enqueue_indirect_dma source(%dma_start3A_92 : memref<128x128xf32, #tpu.memory_space<vmem>>) target(%dma_start3A_98 : memref<384x128xf32, #tpu.memory_space<vmem_shared>>) offsets(%dma_start3A_95 : memref<128xi32, #tpu.memory_space<vmem>>) semaphore(%arg12 : memref<!tpu.dma_semaphore, #tpu.memory_space<semaphore_mem>>) {add = true}
      %dma_wait3A_99 = arith.constant 256 : i32
      %dma_wait3A_100 = arith.constant 0 : i32
      %dma_wait3A_101 = tpu.memref_slice %arg5[%dma_wait3A_99, %dma_wait3A_100] : memref<384x128xf32, #tpu.memory_space<vmem>> -> memref<128x128xf32, #tpu.memory_space<vmem>>
      %dma_wait3A_102 = arith.constant 0 : i32
      %dma_wait3A_103 = tpu.memref_slice %arg2[%add3A_49, %dma_wait3A_102] : memref<10000x128xf32, #tpu.memory_space<hbm>> -> memref<128x128xf32, #tpu.memory_space<hbm>>
      %dma_wait3A_104 = arith.constant 256 : i32
      %dma_wait3A_105 = arith.constant 0 : i32
      %dma_wait3A_106 = tpu.memref_slice %arg5[%dma_wait3A_104, %dma_wait3A_105] : memref<384x128xf32, #tpu.memory_space<vmem>> -> memref<128x128xf32, #tpu.memory_space<vmem>>
      %dma_wait3A_107 = arith.constant 0 : i32
      %dma_wait3A_108 = tpu.memref_slice %arg2[%add3A_49, %dma_wait3A_107] : memref<10000x128xf32, #tpu.memory_space<hbm>> -> memref<128x128xf32, #tpu.memory_space<hbm>>
      tpu.wait_dma2 semaphore(%arg10 : memref<!tpu.dma_semaphore, #tpu.memory_space<semaphore_mem>>) src(%dma_wait3A_108 : memref<128x128xf32, #tpu.memory_space<hbm>>) dst(%dma_wait3A_106 : memref<128x128xf32, #tpu.memory_space<vmem>>)
      %dma_start3A_109 = arith.constant 2 : i32
      %dma_start3A_110 = arith.constant 256 : i32
      %dma_start3A_111 = arith.constant 0 : i32
      %dma_start3A_112 = tpu.memref_slice %arg5[%dma_start3A_110, %dma_start3A_111] : memref<384x128xf32, #tpu.memory_space<vmem>> -> memref<128x128xf32, #tpu.memory_space<vmem>>
      %dma_start3A_113 = arith.constant 0 : i32
      %dma_start3A_114 = tpu.memref_slice %arg6[%dma_start3A_109, %dma_start3A_113] : memref<3x128xi32, #tpu.memory_space<vmem>> -> memref<1x128xi32, #tpu.memory_space<vmem>>
      %dma_start3A_115 = tpu.memref_squeeze %dma_start3A_114 : memref<1x128xi32, #tpu.memory_space<vmem>> -> memref<128xi32, #tpu.memory_space<vmem>>
      %dma_start3A_116 = arith.constant 0 : i32
      %dma_start3A_117 = arith.constant 0 : i32
      %dma_start3A_118 = tpu.memref_slice %arg7[%dma_start3A_116, %dma_start3A_117] : memref<384x128xf32, #tpu.memory_space<vmem_shared>> -> memref<384x128xf32, #tpu.memory_space<vmem_shared>>
      tpu.enqueue_indirect_dma source(%dma_start3A_112 : memref<128x128xf32, #tpu.memory_space<vmem>>) target(%dma_start3A_118 : memref<384x128xf32, #tpu.memory_space<vmem_shared>>) offsets(%dma_start3A_115 : memref<128xi32, #tpu.memory_space<vmem>>) semaphore(%arg12 : memref<!tpu.dma_semaphore, #tpu.memory_space<semaphore_mem>>) {add = true}
      %dma_wait3A_119 = arith.constant 0 : i32
      %dma_wait3A_120 = arith.constant 0 : i32
      %dma_wait3A_121 = arith.constant 0 : i32
      %dma_wait3A_122 = tpu.memref_slice %arg5[%dma_wait3A_120, %dma_wait3A_121] : memref<384x128xf32, #tpu.memory_space<vmem>> -> memref<128x128xf32, #tpu.memory_space<vmem>>
      %dma_wait3A_123 = arith.constant 0 : i32
      %dma_wait3A_124 = tpu.memref_slice %arg6[%dma_wait3A_119, %dma_wait3A_123] : memref<3x128xi32, #tpu.memory_space<vmem>> -> memref<1x128xi32, #tpu.memory_space<vmem>>
      %dma_wait3A_125 = tpu.memref_squeeze %dma_wait3A_124 : memref<1x128xi32, #tpu.memory_space<vmem>> -> memref<128xi32, #tpu.memory_space<vmem>>
      %dma_wait3A_126 = arith.constant 0 : i32
      %dma_wait3A_127 = arith.constant 0 : i32
      %dma_wait3A_128 = tpu.memref_slice %arg7[%dma_wait3A_126, %dma_wait3A_127] : memref<384x128xf32, #tpu.memory_space<vmem_shared>> -> memref<384x128xf32, #tpu.memory_space<vmem_shared>>
      tpu.wait_indirect_dma semaphore(%arg12 : memref<!tpu.dma_semaphore, #tpu.memory_space<semaphore_mem>>) src(%dma_wait3A_122 : memref<128x128xf32, #tpu.memory_space<vmem>>) dst(%dma_wait3A_128 : memref<384x128xf32, #tpu.memory_space<vmem_shared>>)
      %dma_wait3A_129 = arith.constant 1 : i32
      %dma_wait3A_130 = arith.constant 128 : i32
      %dma_wait3A_131 = arith.constant 0 : i32
      %dma_wait3A_132 = tpu.memref_slice %arg5[%dma_wait3A_130, %dma_wait3A_131] : memref<384x128xf32, #tpu.memory_space<vmem>> -> memref<128x128xf32, #tpu.memory_space<vmem>>
      %dma_wait3A_133 = arith.constant 0 : i32
      %dma_wait3A_134 = tpu.memref_slice %arg6[%dma_wait3A_129, %dma_wait3A_133] : memref<3x128xi32, #tpu.memory_space<vmem>> -> memref<1x128xi32, #tpu.memory_space<vmem>>
      %dma_wait3A_135 = tpu.memref_squeeze %dma_wait3A_134 : memref<1x128xi32, #tpu.memory_space<vmem>> -> memref<128xi32, #tpu.memory_space<vmem>>
      %dma_wait3A_136 = arith.constant 0 : i32
      %dma_wait3A_137 = arith.constant 0 : i32
      %dma_wait3A_138 = tpu.memref_slice %arg7[%dma_wait3A_136, %dma_wait3A_137] : memref<384x128xf32, #tpu.memory_space<vmem_shared>> -> memref<384x128xf32, #tpu.memory_space<vmem_shared>>
      tpu.wait_indirect_dma semaphore(%arg12 : memref<!tpu.dma_semaphore, #tpu.memory_space<semaphore_mem>>) src(%dma_wait3A_132 : memref<128x128xf32, #tpu.memory_space<vmem>>) dst(%dma_wait3A_138 : memref<384x128xf32, #tpu.memory_space<vmem_shared>>)
      %dma_wait3A_139 = arith.constant 2 : i32
      %dma_wait3A_140 = arith.constant 256 : i32
      %dma_wait3A_141 = arith.constant 0 : i32
      %dma_wait3A_142 = tpu.memref_slice %arg5[%dma_wait3A_140, %dma_wait3A_141] : memref<384x128xf32, #tpu.memory_space<vmem>> -> memref<128x128xf32, #tpu.memory_space<vmem>>
      %dma_wait3A_143 = arith.constant 0 : i32
      %dma_wait3A_144 = tpu.memref_slice %arg6[%dma_wait3A_139, %dma_wait3A_143] : memref<3x128xi32, #tpu.memory_space<vmem>> -> memref<1x128xi32, #tpu.memory_space<vmem>>
      %dma_wait3A_145 = tpu.memref_squeeze %dma_wait3A_144 : memref<1x128xi32, #tpu.memory_space<vmem>> -> memref<128xi32, #tpu.memory_space<vmem>>
      %dma_wait3A_146 = arith.constant 0 : i32
      %dma_wait3A_147 = arith.constant 0 : i32
      %dma_wait3A_148 = tpu.memref_slice %arg7[%dma_wait3A_146, %dma_wait3A_147] : memref<384x128xf32, #tpu.memory_space<vmem_shared>> -> memref<384x128xf32, #tpu.memory_space<vmem_shared>>
      tpu.wait_indirect_dma semaphore(%arg12 : memref<!tpu.dma_semaphore, #tpu.memory_space<semaphore_mem>>) src(%dma_wait3A_142 : memref<128x128xf32, #tpu.memory_space<vmem>>) dst(%dma_wait3A_148 : memref<384x128xf32, #tpu.memory_space<vmem_shared>>)
    } else {
    }
    %eq3A_15 = arith.constant 31 : i32
    %eq3A_16 = arith.cmpi eq, %add3A, %eq3A_15 : i32
    %convert_element_type3A_17 = arith.extui %eq3A_16 : i1 to i32
    %cond3A_18 = arith.constant 0 : i32
    %cond3A_19 = arith.cmpi ne, %convert_element_type3A_17, %cond3A_18 : i32
    scf.if %cond3A_19 {
      %dma_start3A = arith.constant 0 : i32
      %dma_start3A_25 = arith.constant 0 : i32
      %dma_start3A_26 = tpu.memref_slice %arg5[%dma_start3A, %dma_start3A_25] : memref<384x128xf32, #tpu.memory_space<vmem>> -> memref<128x128xf32, #tpu.memory_space<vmem>>
      %dma_start3A_27 = arith.constant 9872 : i32
      %dma_start3A_28 = arith.constant 0 : i32
      %dma_start3A_29 = tpu.memref_slice %arg2[%dma_start3A_27, %dma_start3A_28] : memref<10000x128xf32, #tpu.memory_space<hbm>> -> memref<128x128xf32, #tpu.memory_space<hbm>>
      %dma_start3A_30 = arith.constant 0 : i32
      %dma_start3A_31 = arith.constant 0 : i32
      %dma_start3A_32 = tpu.memref_slice %arg5[%dma_start3A_30, %dma_start3A_31] : memref<384x128xf32, #tpu.memory_space<vmem>> -> memref<128x128xf32, #tpu.memory_space<vmem>>
      %dma_start3A_33 = arith.constant 9872 : i32
      %dma_start3A_34 = arith.constant 0 : i32
      %dma_start3A_35 = tpu.memref_slice %arg2[%dma_start3A_33, %dma_start3A_34] : memref<10000x128xf32, #tpu.memory_space<hbm>> -> memref<128x128xf32, #tpu.memory_space<hbm>>
      tpu.enqueue_dma source(%dma_start3A_35 : memref<128x128xf32, #tpu.memory_space<hbm>>) target(%dma_start3A_32 : memref<128x128xf32, #tpu.memory_space<vmem>>) target_semaphore(%arg8 : memref<!tpu.dma_semaphore, #tpu.memory_space<semaphore_mem>>)
      %dma_wait3A = arith.constant 0 : i32
      %dma_wait3A_36 = arith.constant 0 : i32
      %dma_wait3A_37 = tpu.memref_slice %arg5[%dma_wait3A, %dma_wait3A_36] : memref<384x128xf32, #tpu.memory_space<vmem>> -> memref<128x128xf32, #tpu.memory_space<vmem>>
      %dma_wait3A_38 = arith.constant 9872 : i32
      %dma_wait3A_39 = arith.constant 0 : i32
      %dma_wait3A_40 = tpu.memref_slice %arg2[%dma_wait3A_38, %dma_wait3A_39] : memref<10000x128xf32, #tpu.memory_space<hbm>> -> memref<128x128xf32, #tpu.memory_space<hbm>>
      %dma_wait3A_41 = arith.constant 0 : i32
      %dma_wait3A_42 = arith.constant 0 : i32
      %dma_wait3A_43 = tpu.memref_slice %arg5[%dma_wait3A_41, %dma_wait3A_42] : memref<384x128xf32, #tpu.memory_space<vmem>> -> memref<128x128xf32, #tpu.memory_space<vmem>>
      %dma_wait3A_44 = arith.constant 9872 : i32
      %dma_wait3A_45 = arith.constant 0 : i32
      %dma_wait3A_46 = tpu.memref_slice %arg2[%dma_wait3A_44, %dma_wait3A_45] : memref<10000x128xf32, #tpu.memory_space<hbm>> -> memref<128x128xf32, #tpu.memory_space<hbm>>
      tpu.wait_dma2 semaphore(%arg8 : memref<!tpu.dma_semaphore, #tpu.memory_space<semaphore_mem>>) src(%dma_wait3A_46 : memref<128x128xf32, #tpu.memory_space<hbm>>) dst(%dma_wait3A_43 : memref<128x128xf32, #tpu.memory_space<vmem>>)
      %dma_start3A_47 = arith.constant 0 : i32
      %dma_start3A_48 = arith.constant 0 : i32
      %dma_start3A_49 = arith.constant 0 : i32
      %dma_start3A_50 = tpu.memref_slice %arg5[%dma_start3A_48, %dma_start3A_49] : memref<384x128xf32, #tpu.memory_space<vmem>> -> memref<128x128xf32, #tpu.memory_space<vmem>>
      %dma_start3A_51 = arith.constant 0 : i32
      %dma_start3A_52 = tpu.memref_slice %arg6[%dma_start3A_47, %dma_start3A_51] : memref<3x128xi32, #tpu.memory_space<vmem>> -> memref<1x128xi32, #tpu.memory_space<vmem>>
      %dma_start3A_53 = tpu.memref_squeeze %dma_start3A_52 : memref<1x128xi32, #tpu.memory_space<vmem>> -> memref<128xi32, #tpu.memory_space<vmem>>
      %dma_start3A_54 = arith.constant 0 : i32
      %dma_start3A_55 = arith.constant 0 : i32
      %dma_start3A_56 = tpu.memref_slice %arg7[%dma_start3A_54, %dma_start3A_55] : memref<384x128xf32, #tpu.memory_space<vmem_shared>> -> memref<384x128xf32, #tpu.memory_space<vmem_shared>>
      tpu.enqueue_indirect_dma source(%dma_start3A_50 : memref<128x128xf32, #tpu.memory_space<vmem>>) target(%dma_start3A_56 : memref<384x128xf32, #tpu.memory_space<vmem_shared>>) offsets(%dma_start3A_53 : memref<128xi32, #tpu.memory_space<vmem>>) semaphore(%arg12 : memref<!tpu.dma_semaphore, #tpu.memory_space<semaphore_mem>>) {add = true}
      %dma_wait3A_57 = arith.constant 0 : i32
      %dma_wait3A_58 = arith.constant 0 : i32
      %dma_wait3A_59 = arith.constant 0 : i32
      %dma_wait3A_60 = tpu.memref_slice %arg5[%dma_wait3A_58, %dma_wait3A_59] : memref<384x128xf32, #tpu.memory_space<vmem>> -> memref<128x128xf32, #tpu.memory_space<vmem>>
      %dma_wait3A_61 = arith.constant 0 : i32
      %dma_wait3A_62 = tpu.memref_slice %arg6[%dma_wait3A_57, %dma_wait3A_61] : memref<3x128xi32, #tpu.memory_space<vmem>> -> memref<1x128xi32, #tpu.memory_space<vmem>>
      %dma_wait3A_63 = tpu.memref_squeeze %dma_wait3A_62 : memref<1x128xi32, #tpu.memory_space<vmem>> -> memref<128xi32, #tpu.memory_space<vmem>>
      %dma_wait3A_64 = arith.constant 0 : i32
      %dma_wait3A_65 = arith.constant 0 : i32
      %dma_wait3A_66 = tpu.memref_slice %arg7[%dma_wait3A_64, %dma_wait3A_65] : memref<384x128xf32, #tpu.memory_space<vmem_shared>> -> memref<384x128xf32, #tpu.memory_space<vmem_shared>>
      tpu.wait_indirect_dma semaphore(%arg12 : memref<!tpu.dma_semaphore, #tpu.memory_space<semaphore_mem>>) src(%dma_wait3A_60 : memref<128x128xf32, #tpu.memory_space<vmem>>) dst(%dma_wait3A_66 : memref<384x128xf32, #tpu.memory_space<vmem_shared>>)
    } else {
    }
    %barrier3A_20 = arith.constant 0 : index
    tpu.barrier barrier_id(%barrier3A_20)
    %mul3A_21 = arith.constant 16 : i32
    %mul3A_22 = arith.muli %arg1, %mul3A_21 : i32
    %mul3A_23 = arith.constant 16 : i32
    %mul3A_24 = arith.muli %arg1, %mul3A_23 : i32
    "tpu.region"() ({
      %run_scoped3A = tpu.sem_alloc : memref<!tpu.dma_semaphore, #tpu.memory_space<semaphore_mem>>
      %dma_start3A = arith.constant 0 : i32
      %dma_start3A_25 = tpu.memref_slice %arg4[%arg0, %mul3A_24, %dma_start3A] : memref<2x256x128xf32, #tpu.memory_space<hbm>> -> memref<1x16x128xf32, #tpu.memory_space<hbm>>
      %dma_start3A_26 = tpu.memref_squeeze %dma_start3A_25 : memref<1x16x128xf32, #tpu.memory_space<hbm>> -> memref<16x128xf32, #tpu.memory_space<hbm>>
      %dma_start3A_27 = arith.constant 0 : i32
      %dma_start3A_28 = tpu.memref_slice %arg7[%mul3A_22, %dma_start3A_27] : memref<384x128xf32, #tpu.memory_space<vmem_shared>> -> memref<16x128xf32, #tpu.memory_space<vmem_shared>>
      tpu.enqueue_dma source(%dma_start3A_28 : memref<16x128xf32, #tpu.memory_space<vmem_shared>>) target(%dma_start3A_26 : memref<16x128xf32, #tpu.memory_space<hbm>>) target_semaphore(%run_scoped3A : memref<!tpu.dma_semaphore, #tpu.memory_space<semaphore_mem>>)
      %dma_wait3A = arith.constant 0 : i32
      %dma_wait3A_29 = tpu.memref_slice %arg4[%arg0, %mul3A_24, %dma_wait3A] : memref<2x256x128xf32, #tpu.memory_space<hbm>> -> memref<1x16x128xf32, #tpu.memory_space<hbm>>
      %dma_wait3A_30 = tpu.memref_squeeze %dma_wait3A_29 : memref<1x16x128xf32, #tpu.memory_space<hbm>> -> memref<16x128xf32, #tpu.memory_space<hbm>>
      %dma_wait3A_31 = arith.constant 0 : i32
      %dma_wait3A_32 = tpu.memref_slice %arg7[%mul3A_22, %dma_wait3A_31] : memref<384x128xf32, #tpu.memory_space<vmem_shared>> -> memref<16x128xf32, #tpu.memory_space<vmem_shared>>
      tpu.wait_dma2 semaphore(%run_scoped3A : memref<!tpu.dma_semaphore, #tpu.memory_space<semaphore_mem>>) src(%dma_wait3A_32 : memref<16x128xf32, #tpu.memory_space<vmem_shared>>) dst(%dma_wait3A_30 : memref<16x128xf32, #tpu.memory_space<hbm>>)
      tpu.yield
    }) : () -> ()
    return
  }
}

module attributes {stable_mosaic.version = 14 : i64} {
  func.func @_mlp_kernel(%arg0: memref<2x256x128xf32, #tpu.memory_space<vmem>>, %arg1: memref<256x1xf32, #tpu.memory_space<vmem>>, %arg2: memref<128x128xf32, #tpu.memory_space<vmem>>, %arg3: memref<1x128xf32, #tpu.memory_space<vmem>>, %arg4: memref<128x128xf32, #tpu.memory_space<vmem>>, %arg5: memref<1x128xf32, #tpu.memory_space<vmem>>, %arg6: memref<128x1xf32, #tpu.memory_space<vmem>>, %arg7: memref<1x1xf32, #tpu.memory_space<vmem>>, %arg8: memref<1x256xf32, #tpu.memory_space<vmem>>) attributes {dimension_semantics = [], scalar_prefetch = 0 : i64, scratch_operands = 0 : i64, tpu.core_type = #tpu.core_type<tc>} {
    %get3A = arith.constant 0 : index
    %get3A_0 = arith.constant 0 : index
    %get3A_1 = arith.constant 0 : index
    %get3A_2 = vector.load %arg0[%get3A, %get3A_0, %get3A_1] : memref<2x256x128xf32, #tpu.memory_space<vmem>>, vector<1x256x128xf32>
    %get3A_3 = vector.shape_cast %get3A_2 : vector<1x256x128xf32> to vector<256x128xf32>
    %get3A_4 = arith.constant 1 : index
    %get3A_5 = arith.constant 0 : index
    %get3A_6 = arith.constant 0 : index
    %get3A_7 = vector.load %arg0[%get3A_4, %get3A_5, %get3A_6] : memref<2x256x128xf32, #tpu.memory_space<vmem>>, vector<1x256x128xf32>
    %get3A_8 = vector.shape_cast %get3A_7 : vector<1x256x128xf32> to vector<256x128xf32>
    %add3A = arith.addf %get3A_3, %get3A_8 : vector<256x128xf32>
    %get3A_9 = arith.constant 0 : index
    %get3A_10 = arith.constant 0 : index
    %get3A_11 = vector.load %arg1[%get3A_9, %get3A_10] : memref<256x1xf32, #tpu.memory_space<vmem>>, vector<256x1xf32>
    %max3A = arith.constant 1.000000e+00 : f32
    %max3A_12 = vector.broadcast %max3A : f32 to vector<256x1xf32>
    %max3A_13 = arith.maximumf %get3A_11, %max3A_12 : vector<256x1xf32>
    %div3A = vector.broadcast %max3A_13 : vector<256x1xf32> to vector<256x128xf32>
    %div3A_14 = arith.divf %add3A, %div3A : vector<256x128xf32>
    %get3A_15 = arith.constant 0 : index
    %get3A_16 = arith.constant 0 : index
    %get3A_17 = vector.load %arg2[%get3A_15, %get3A_16] : memref<128x128xf32, #tpu.memory_space<vmem>>, vector<128x128xf32>
    %dot_general3A = arith.constant dense<0.000000e+00> : vector<256x128xf32>
    %dot_general3A_18 = tpu.matmul %div3A_14, %get3A_17, %dot_general3A {dimension_numbers = #tpu.dot_dimension_numbers<[1], [0], [0], [1], [0, 0, 1, 1], [], []>, transpose_lhs_hint = false} : vector<256x128xf32>, vector<128x128xf32>, vector<256x128xf32> -> vector<256x128xf32>
    %get3A_19 = arith.constant 0 : index
    %get3A_20 = arith.constant 0 : index
    %get3A_21 = vector.load %arg3[%get3A_19, %get3A_20] : memref<1x128xf32, #tpu.memory_space<vmem>>, vector<1x128xf32>
    %add3A_22 = vector.broadcast %get3A_21 : vector<1x128xf32> to vector<256x128xf32>
    %add3A_23 = arith.addf %dot_general3A_18, %add3A_22 : vector<256x128xf32>
    %max3A_24 = arith.constant 0.000000e+00 : f32
    %max3A_25 = vector.broadcast %max3A_24 : f32 to vector<256x128xf32>
    %max3A_26 = arith.maximumf %add3A_23, %max3A_25 : vector<256x128xf32>
    %get3A_27 = arith.constant 0 : index
    %get3A_28 = arith.constant 0 : index
    %get3A_29 = vector.load %arg4[%get3A_27, %get3A_28] : memref<128x128xf32, #tpu.memory_space<vmem>>, vector<128x128xf32>
    %dot_general3A_30 = arith.constant dense<0.000000e+00> : vector<256x128xf32>
    %dot_general3A_31 = tpu.matmul %max3A_26, %get3A_29, %dot_general3A_30 {dimension_numbers = #tpu.dot_dimension_numbers<[1], [0], [0], [1], [0, 0, 1, 1], [], []>, transpose_lhs_hint = false} : vector<256x128xf32>, vector<128x128xf32>, vector<256x128xf32> -> vector<256x128xf32>
    %get3A_32 = arith.constant 0 : index
    %get3A_33 = arith.constant 0 : index
    %get3A_34 = vector.load %arg5[%get3A_32, %get3A_33] : memref<1x128xf32, #tpu.memory_space<vmem>>, vector<1x128xf32>
    %add3A_35 = vector.broadcast %get3A_34 : vector<1x128xf32> to vector<256x128xf32>
    %add3A_36 = arith.addf %dot_general3A_31, %add3A_35 : vector<256x128xf32>
    %max3A_37 = arith.constant 0.000000e+00 : f32
    %max3A_38 = vector.broadcast %max3A_37 : f32 to vector<256x128xf32>
    %max3A_39 = arith.maximumf %add3A_36, %max3A_38 : vector<256x128xf32>
    %get3A_40 = arith.constant 0 : index
    %get3A_41 = arith.constant 0 : index
    %get3A_42 = vector.load %arg6[%get3A_40, %get3A_41] : memref<128x1xf32, #tpu.memory_space<vmem>>, vector<128x1xf32>
    %dot_general3A_43 = arith.constant dense<0.000000e+00> : vector<256x1xf32>
    %dot_general3A_44 = tpu.matmul %max3A_39, %get3A_42, %dot_general3A_43 {dimension_numbers = #tpu.dot_dimension_numbers<[1], [0], [0], [1], [0, 0, 1, 1], [], []>, transpose_lhs_hint = false} : vector<256x128xf32>, vector<128x1xf32>, vector<256x1xf32> -> vector<256x1xf32>
    %get3A_45 = arith.constant 0 : index
    %get3A_46 = arith.constant 0 : index
    %get3A_47 = vector.load %arg7[%get3A_45, %get3A_46] : memref<1x1xf32, #tpu.memory_space<vmem>>, vector<1x1xf32>
    %add3A_48 = vector.broadcast %get3A_47 : vector<1x1xf32> to vector<256x1xf32>
    %add3A_49 = arith.addf %dot_general3A_44, %add3A_48 : vector<256x1xf32>
    %gt3A = arith.constant 0.000000e+00 : f32
    %gt3A_50 = vector.broadcast %gt3A : f32 to vector<256x1xf32>
    %gt3A_51 = arith.cmpf ogt, %get3A_11, %gt3A_50 : vector<256x1xf32>
    %jit3A = arith.constant 0.000000e+00 : f32
    %broadcast_in_dim3A = vector.broadcast %jit3A : f32 to vector<256x1xf32>
    %select_n3A = arith.select %gt3A_51, %add3A_49, %broadcast_in_dim3A : vector<256x1xi1>, vector<256x1xf32>
    %iota3A = tpu.iota {dimensions = array<i32: 0>} : vector<256x256xi32>
    %iota3A_52 = tpu.iota {dimensions = array<i32: 1>} : vector<256x256xi32>
    %eq3A = arith.cmpi eq, %iota3A, %iota3A_52 : vector<256x256xi32>
    %convert_element_type3A = arith.extui %eq3A : vector<256x256xi1> to vector<256x256xi32>
    %convert_element_type3A_53 = arith.sitofp %convert_element_type3A : vector<256x256xi32> to vector<256x256xf32>
    %dot_general3A_54 = arith.constant dense<0.000000e+00> : vector<1x256xf32>
    %dot_general3A_55 = tpu.matmul %select_n3A, %convert_element_type3A_53, %dot_general3A_54 {dimension_numbers = #tpu.dot_dimension_numbers<[0], [0], [1], [1], [0, 1, 1, 1], [], []>, transpose_lhs_hint = false} : vector<256x1xf32>, vector<256x256xf32>, vector<1x256xf32> -> vector<1x256xf32>
    %swap3A = arith.constant 0 : index
    %swap3A_56 = arith.constant 0 : index
    %swap3A_57 = vector.load %arg8[%swap3A, %swap3A_56] : memref<1x256xf32, #tpu.memory_space<vmem>>, vector<1x256xf32>
    tpu.vector_store %arg8[%swap3A, %swap3A_56], %dot_general3A_55 {strides = array<i32>} : memref<1x256xf32, #tpu.memory_space<vmem>>, vector<1x256xf32>,
    return
  }
}

module attributes {stable_mosaic.version = 14 : i64} {
  func.func @_counts_kernel(%arg0: memref<1x10000xi32, #tpu.memory_space<vmem>>, %arg1: memref<256x1xf32, #tpu.memory_space<vmem>>) attributes {dimension_semantics = [], scalar_prefetch = 0 : i64, scratch_operands = 0 : i64, tpu.core_type = #tpu.core_type<tc>} {
    %iota3A = tpu.iota {dimensions = array<i32: 0>} : vector<256x1xi32>
    %get3A = arith.constant 0 : index
    %get3A_0 = arith.constant 0 : index
    %get3A_1 = vector.load %arg0[%get3A, %get3A_0] : memref<1x10000xi32, #tpu.memory_space<vmem>>, vector<1x10000xi32>
    %eq3A = vector.broadcast %get3A_1 : vector<1x10000xi32> to vector<256x10000xi32>
    %eq3A_2 = vector.broadcast %iota3A : vector<256x1xi32> to vector<256x10000xi32>
    %eq3A_3 = arith.cmpi eq, %eq3A, %eq3A_2 : vector<256x10000xi32>
    %convert_element_type3A = arith.extui %eq3A_3 : vector<256x10000xi1> to vector<256x10000xi32>
    %convert_element_type3A_4 = arith.sitofp %convert_element_type3A : vector<256x10000xi32> to vector<256x10000xf32>
    %reduce_sum3A = arith.constant dense<0.000000e+00> : vector<256xf32>
    %reduce_sum3A_5 = vector.multi_reduction <add>, %convert_element_type3A_4, %reduce_sum3A [1] : vector<256x10000xf32> to vector<256xf32>
    %broadcast_in_dim3A = vector.shape_cast %reduce_sum3A_5 : vector<256xf32> to vector<256x1xf32>
    %swap3A = arith.constant 0 : index
    %swap3A_6 = arith.constant 0 : index
    %swap3A_7 = vector.load %arg1[%swap3A, %swap3A_6] : memref<256x1xf32, #tpu.memory_space<vmem>>, vector<256x1xf32>
    tpu.vector_store %arg1[%swap3A, %swap3A_6], %broadcast_in_dim3A {strides = array<i32>} : memref<256x1xf32, #tpu.memory_space<vmem>>, vector<256x1xf32>,
    return
  }
}

</mosaic_0001>

<sc_bundles>
// kernel: kernel.5.cloned.1.call-start
scs
__scs_entry_jumppad:
0x0: {  	(pc) =	sbr.rel $0x88, $3  }
0x1: {  	(tag) =	ssettag $0x0;
	lr =	simm.s32 $0x1  }
0x2: {  	[smem:$0x3F99] =	sst lr;
	_ =	strace $0xD0000000  }
0x3: {  	_ = 	snop  }
0x4: {  	_ = 	snop  }
0x5: {  	_ = 	snop  }
0x6: {  	_ = 	snop  }
0x7: {  	_ = 	snop  }
__scs_overlays_trampoline_lowered:
0x8: {  	[smem:$0x3FA8] =	sst s0  }
0x9: {  	[smem:$0x3FA9] =	sst s1  }
0xa: {  	[smem:$0x3FAA] =	sst s2  }
0xb: {  	[smem:$0x3FAB] =	sst s3  }
0xc: {  	[smem:$0x3FAC] =	sst s4  }
0xd: {  	[smem:$0x3FAD] =	sst s5  }
0xe: {  	[smem:$0x3FAE] =	sst s6  }
0xf: {  	[smem:$0x3FAF] =	sst s7  }
0x10: {  	[smem:$0x3FB0] =	sst s8  }
0x11: {  	[smem:$0x3FB1] =	sst s9;
	s0 =	simm.s32 @!p0 $0x0  }
0x12: {  	s1 =	sld [smem:$0x3F97];
	s0 =	simm.s32 @p0 $0x1  }
0x13: {  	[smem:$0x3FB2] =	sst s0;
	s0 =	simm.s32 @!p1 $0x0  }
0x14: {  	s2 =	sld [smem:$0x3F96];
	s0 =	simm.s32 @p1 $0x1  }
0x15: {  	[smem:$0x3FB3] =	sst s0;
	s0 =	simm.s32 @!p2 $0x0  }
0x16: {  	s3 =	sld [smem:$0x3FDB];
	s0 =	simm.s32 @p2 $0x1  }
0x17: {  	s4 =	simm.s32 $0x1BF5;
	[smem:$0x3FB5] =	sst s0  }
0x18: {  	s0 =	sld [smem:$0x3F98];
	_ =	swait.ge [sflag:s4], $0x0  }
0x19: {  	s7 =	sld [smem:$0x3F99]  }
0x1a: {  	s8 =	sadd.s32 $0xFFFFE003, lr  }
0x1b: {  	s9 =	sadd.s32 $0xFFFFFEF7, lr;
	s5 =	simm.s32 $0xFFFFFFFF;
	p2 =	slt.u32 s8, $0xFFFFF086  }
0x1c: {  	p1 =	slt.u32 s9, $0xF7A;
	s5 =	simm.s32 @!p2 $0x0  }
0x1d: {  	s5 =	simm.s32 @p1 $0x1;
	p0 =	seq.s32 s7, s2  }
0x1e: {  	s7 =	smul.u32 @!p0 $0xF7A, s2;
	p2 =	seq.s32 @!p0 s5, $0x0  }
0x1f: {  	s9 =	smul.u32 $0xF7A, s1;
	s8 =	simm.s32 @!p0 $0x1BF5;
	p2 =	por !p2, p0  }
0x20: {  	[sflag:s8] =	ssyncset.s32 @!p0 $0xFFFFF086;
	s6 =	sadd.s32 @!p0 s3, s7;
	s7 =	simm.s32 @!p0 $0x108  }
0x21: {  	s3 =	sadd.s32 s3, s9;
	s6 =	sadd.s32 @!p0 $0x88, s6;
	s7 =	simm.s32 @p2 $0x1082  }
0x22: {  	[simem:s7], [sflag:s8] =	dma.local @!p0 [hbm:s6], $0xF7A  }
0x23: {  	s9 =	sor.u32 $0xD0000000, s2;
	s6 =	simm.s32 $0x108;
	_ =	swait.ge @!p0 [sflag:s8], $0x0  }
0x24: {  	s3 =	sadd.s32 $0x88, s3;
	s6 =	simm.s32 @!p1 $0x1082;
	[sflag:s4] =	ssyncset.s32 $0xFFFFF086  }
0x25: {  	[simem:s6], [sflag:s4] =	dma.local [hbm:s3], $0xF7A  }
0x26: {  	[smem:$0x3F99] =	sst s1;
	(tag) =	ssettag s2;
	_ =	strace s9  }
0x27: {  	s1 =	sld [smem:$0x3FA9]  }
0x28: {  	s2 =	sld [smem:$0x3FAA]  }
0x29: {  	s4 =	sld [smem:$0x3FAC]  }
0x2a: {  	p0 =	seq.s32 s5, $0x0;
	s5 =	sld [smem:$0x3FAD]  }
0x2b: {  	s6 =	sld [smem:$0x3FAE]  }
0x2c: {  	s7 =	sld [smem:$0x3FAF]  }
0x2d: {  	s3 =	simm.s32 $0x108;
	s8 =	sld [smem:$0x3FB0]  }
0x2e: {  	s3 =	simm.s32 @!p0 $0x1082;
	s9 =	sld [smem:$0x3FB1]  }
0x2f: {  	lr =	sadd.s32 s0, s3;
	s0 =	sld [smem:$0x3FA8]  }
0x30: {  	s3 =	sld [smem:$0x3FAB]  }
0x31: {  	[smem:$0x3FB4] =	sst s10  }
0x32: {  	s10 =	sld [smem:$0x3FB2];
	_ =	sdelay $0x3  }
0x33: {  	p0 =	seq.s32 s10, $0x1;
	s10 =	sld [smem:$0x3FB4];
	_ =	sdelay $0x3  }
0x34: {  	[smem:$0x3FB4] =	sst s10  }
0x35: {  	s10 =	sld [smem:$0x3FB3];
	_ =	sdelay $0x3  }
0x36: {  	p1 =	seq.s32 s10, $0x1;
	s10 =	sld [smem:$0x3FB4];
	_ =	sdelay $0x3  }
0x37: {  	[smem:$0x3FB4] =	sst s10  }
0x38: {  	s10 =	sld [smem:$0x3FB5]  }
0x39: {  	_ = 	snop;
	(pc) =	sbr.ind lr, $3  }
0x3a: {  	_ = 	snop  }
0x3b: {  	_ = 	snop  }
0x3c: {  	p2 =	seq.s32 s10, $0x1;
	s10 =	sld [smem:$0x3FB4]  }
0x3d: {  	_ =	shalt  }
0x3e: {  	_ =	shalt  }
0x3f: {  	_ =	shalt  }
0x40: {  	_ =	shalt  }
0x41: {  	_ =	shalt  }
0x42: {  	_ =	shalt  }
0x43: {  	_ =	shalt  }
0x44: {  	_ =	shalt  }
0x45: {  	_ =	shalt  }
0x46: {  	_ =	shalt  }
0x47: {  	_ =	shalt  }
0x48: {  	_ =	shalt  }
0x49: {  	_ =	shalt  }
0x4a: {  	_ =	shalt  }
0x4b: {  	_ =	shalt  }
0x4c: {  	_ =	shalt  }
0x4d: {  	_ =	shalt  }
0x4e: {  	_ =	shalt  }
0x4f: {  	_ =	shalt  }
0x50: {  	_ =	shalt  }
0x51: {  	_ =	shalt  }
0x52: {  	_ =	shalt  }
0x53: {  	_ =	shalt  }
0x54: {  	_ =	shalt  }
0x55: {  	_ =	shalt  }
0x56: {  	_ =	shalt  }
0x57: {  	_ =	shalt  }
0x58: {  	_ =	shalt  }
0x59: {  	_ =	shalt  }
0x5a: {  	_ =	shalt  }
0x5b: {  	_ =	shalt  }
0x5c: {  	_ =	shalt  }
0x5d: {  	_ =	shalt  }
0x5e: {  	_ =	shalt  }
0x5f: {  	_ =	shalt  }
0x60: {  	_ =	shalt  }
0x61: {  	_ =	shalt  }
0x62: {  	_ =	shalt  }
0x63: {  	_ =	shalt  }
0x64: {  	_ =	shalt  }
0x65: {  	_ =	shalt  }
0x66: {  	_ =	shalt  }
0x67: {  	_ =	shalt  }
0x68: {  	_ =	shalt  }
0x69: {  	_ =	shalt  }
0x6a: {  	_ =	shalt  }
0x6b: {  	_ =	shalt  }
0x6c: {  	_ =	shalt  }
0x6d: {  	_ =	shalt  }
0x6e: {  	_ =	shalt  }
0x6f: {  	_ =	shalt  }
0x70: {  	_ =	shalt  }
0x71: {  	_ =	shalt  }
0x72: {  	_ =	shalt  }
0x73: {  	_ =	shalt  }
0x74: {  	_ =	shalt  }
0x75: {  	_ =	shalt  }
0x76: {  	_ =	shalt  }
0x77: {  	_ =	shalt  }
0x78: {  	_ =	shalt  }
0x79: {  	_ =	shalt  }
0x7a: {  	_ =	shalt  }
0x7b: {  	_ =	shalt  }
0x7c: {  	_ =	shalt  }
0x7d: {  	_ =	shalt  }
0x7e: {  	_ =	shalt  }
0x7f: {  	_ =	shalt  }
0x80: {  	_ =	shalt  }
0x81: {  	_ =	shalt  }
0x82: {  	_ =	shalt  }
0x83: {  	_ =	shalt  }
0x84: {  	_ =	shalt  }
0x85: {  	_ =	shalt  }
0x86: {  	_ =	shalt  }
0x87: {  	_ =	shalt  }
.Lfunc_end0:
.L_simem_size_0:
called_computation_lowered:
.L_overlay_start_0:
0x88: {  	s2 =	sld [smem:$0x3FD9]  }
0x89: {  	s3 =	sld [smem:$0x3FFE];
	_ =	sdelay $0x1  }
0x8a: {  	s1 =	srdreg.scid  }
0x8b: {  	s0 =	sand.u32 $0x1, s1  }
0x8c: {  	s17 =	sshll.u32 s0, $0xA;
	s2 =	sadd.s32 s3, s2  }
0x8d: {  	s2 =	sadd.s32 s2, s17  }
0x8e: {  	[smem:$0x3FC0] =	sst s2  }
0x8f: {  	_ = 	snop  }
0x90: {  	s2 =	sld [smem:$0x3FC9]  }
0x91: {  	s18 =	sld [smem:$0x3FC8];
	(tm) =	ssettm $0x1  }
0x92: {  	s4 =	sld [smem:$0x3FFB];
	_ =	sdelay $0x3  }
0x93: {  	_ =	strace s4  }
0x94: {  	s4 =	sld [smem:$0x3FFC];
	_ =	sdelay $0x3  }
0x95: {  	_ =	strace s4  }
0x96: {  	s4 =	sld [smem:$0x3FFD];
	_ =	sdelay $0x3  }
0x97: {  	_ =	strace s4  }
0x98: {  	_ =	strace $0x8FFFFFFF  }
0x99: {  	s19 =	sld [smem:$0x3FDB];
	_ =	sdelay $0x1  }
0x9a: {  	s5 =	simm.s32 $_scs_section_size  }
0x9b: {  	s6 =	simm.s32 $_size__tile_overlayer_lowered;
	s7 =	simm.s32 $_tile_overlayer_lowered  }
0x9c: {  	s22 =	simm.s32 $0x1BFF;
	s21 =	sshll.u32 s7, $0x1;
	s4 =	sadd.s32 s5, s19  }
0x9d: {  	s8 =	simm.s32 $0x0;
	s20 =	sshll.u32 s6, $0x1;
	s6 =	sadd.s32 s21, s4  }
0x9e: {  	[timem:s8], [sflag:s22] =	dma.local [hbm:s6], s20  }
0x9f: {  	_ =	swait.ge [sflag:s22], s20  }
0xa0: {  	s5 =	ssub.s32 $0x0, s20;
	[sflag:s22] =	ssyncset.done $0x0  }
0xa1: {  	[sflag:s22] =	ssyncadd.s32 s5;
	_ =	sdelay $0x1  }
0xa2: {  	s23 =	simm.s32 $0x1B8B  }
0xa3: {  	_ =	swait.ge [sflag:s23], $0x1  }
0xa4: {  	[sflag:s23] =	ssyncset.done $0x0  }
0xa5: {  	s25 =	simm.s32 $0x1B8E;
	s24 =	sld [smem:$0x3FFE];
	[sflag:s23] =	ssyncadd.s32 $0xFFFFFFFF  }
0xa6: {  	s26 =	simm.s32 $execute0_lowered;
	[smem:$0x3FD2] =	sst s25  }
0xa7: {  	s6 =	sshll.u32 s26, $0x1;
	_ =	strace $0x80000046;
	[dreg:$0x1] =	wrdreg $0xFFFFFFFF  }
0xa8: {  	s28 =	simm.s32 $_size_execute0_lowered;
	s4 =	sadd.s32 s4, s6;
	[dreg:$0x0] =	wrdreg $0x0  }
0xa9: {  	s6 =	sshll.u32 s28, $0x1;
	[dreg:$0x2] =	wrdreg s4  }
0xaa: {  	[dreg:$0x3] =	wrdreg s6  }
0xab: {  	[dreg:$0x4] =	wrdreg $0xC0  }
0xac: {  	_ =	task [dreg:s8], $0x5FFFF  }
0xad: {  	[dreg:$0x1] =	wrdreg $0xFFFFFFFF  }
0xae: {  	[dreg:$0x0] =	wrdreg $0x60  }
0xaf: {  	[dreg:$0x2] =	wrdreg s2  }
0xb0: {  	[dreg:$0x3] =	wrdreg s18  }
0xb1: {  	[dreg:$0x4] =	wrdreg s24  }
0xb2: {  	[dreg:$0x5] =	wrdreg $0xC2000  }
0xb3: {  	[dreg:$0x6] =	wrdreg $0x9  }
0xb4: {  	_ =	task.clear_ibuf [dreg:s8], $0x7FFFF;
	_ =	strace $0x90000046  }
0xb5: {  	s29 =	simm.s32 $0x9;
	_ =	strace $0x80000048  }
0xb6: {  	_ =	swait.ge [sflag:s29], $0x1  }
0xb7: {  	[sflag:s29] =	ssyncadd.s32 $0xFFFFFFFF  }
0xb8: {  	_ =	strace $0x90000048  }
0xb9: {  	_ =	sfence  }
0xba: {  	s30 =	sld [smem:$0x0];
	_ =	sdelay $0x2  }
0xbb: {  	s31 =	sshll.u32 s1, $0xD;
	s1 =	sshrl.u32 s1, $0x2  }
0xbc: {  	s3 =	sand.u32 $0x4000, s31;
	s1 =	sadd.s32 s1, s30  }
0xbd: {  	s0 =	sor.u32 s3, s0;
	s1 =	sshll.u32 s1, $0x11  }
0xbe: {  	s0 =	sor.u32 s1, s0  }
0xbf: {  	s0 =	sadd.s32 $0x8F2B, s0  }
0xc0: {  	[sflag:s0] =	ssyncadd.remote.s32 $0x1  }
0xc1: {  	_ =	sfence.sel $0xFFFF  }
0xc2: {  	[dreg:$0x0] =	wrdreg $0xFFFFFFFF;
	(pc) =	sbr.abs _section_cstart, $3  }
0xc3: {  	[dreg:$0x1] =	wrdreg $0xFFFFFFFF  }
0xc4: {  	_ =	task.clear_ibuf [dreg:s8], $0x2FFFF;
	_ =	strace $0x9FFFFFFF  }
0xc5: {  	(tm) =	ssettm $0x7FFFFFFF  }
tec
execute0_lowered:
.L_overlay_start_1:
0x0: {  	(tag) =	ssettag $0x1  }
0x1: {  	s0 =	rddreg [dreg:$0x0]  }
0x2: {  	s11 =	rddreg [dreg:$0x1]  }
0x3: {  	s1 =	srdreg.scid;
	s4 =	rddreg [dreg:$0x2]  }
0x4: {  	s2 =	rddreg [dreg:$0x3];
	s3 =	simm.s32 $0x0;
	s17 =	simm.s32 $0x4  }
0x5: {  	s18 =	simm.s32 $0x1;
	s19 =	simm.s32 $0x80;
	s20 =	simm.s32 $0x5  }
0x6: {  	s28 =	simm.s32 $0x2;
	s29 =	simm.s32 $0x3;
	s30 =	simm.s32 $0x0  }
0x7: {  	s12 =	sand.u32 $0x1, s1;
	s1 =	stileid.u32;
	[smem:$0x7FF] =	sst s3  }
0x8: {  	s5 =	sshll.u32 s12, $0x4;
	s23 =	sshll.u32 s1, $0x8;
	_ =	strace $0x80000047  }
0x9: {  	s24 =	ssub.s32 $0x2, s12;
	s7 =	smul.u32 $0x3000, s1;
	s12 =	sshll.u32 s12, $0xC  }
0xa: {  	s16 =	sshll.u32 s1, $0xB;
	s21 =	sshll.u32 s1, $0x6;
	s15 =	sor.u32 s1, s5  }
0xb: {  	s13 =	sadd.s32 s23, s4;
	s26 =	sshrl.u32 s24, $0x1;
	s31 =	sadd.s32 s16, s2  }
0xc: {  	s16 =	simm.s32 $0x6;
	s21 =	sor.u32 $0x1C06, s21;
	s6 =	smul.u32 $0x140, s15  }
0xd: {  	s23 =	simm.s32 $0xC080;
	s8 =	smul.u32 $0xA000, s15;
	s14 =	ssub.s32 s24, s26  }
0xe: {  	s9 =	smul.u32 $0x1400, s15;
	s7 =	sshrl.u32 s7, $0x2;
	s13 =	sadd.s32 s12, s13  }
0xf: {  	s12 =	sadd.s32 $0x26900, s0;
	p0 =	seq.s32 s15, $0x1F;
	s15 =	simm.s32 $0xC000  }
0x10: {  	s22 =	sshrl.u32 s31, $0x3;
	s24 =	simm.s32 $0xC100;
	s26 =	simm.s32 $0x8000  }
.Ltmp0:
0x11: {  	s7 =	sadd.s32 s7, s2;
	s13 =	sadd.s32 $0x1200, s13;
	(pc) =	sbr.rel .LBB2_1-.Ltmp0, $4  }
0x12: {  	s14 =	smax.u32 s14, $0x1;
	s25 =	sshrl.u32 s6, $0x3;
	s10 =	sshrl.u32 s8, $0x3  }
0x13: {  	s8 =	sadd.s32 s0, s9;
	s4 =	sadd.s32 s11, s25;
	s10 =	sadd.s32 s0, s10  }
0x14: {  	s11 =	sadd.s32 $0x4D2, s11;
	s25 =	simm.s32 $0x4000;
	s5 =	sadd.s32 $0x10, s4  }
0x15: {  	v0 =	vimm.f32 $0.0e+00;
	v1 =	vimm.s32 $0x100;
	s6 =	sadd.s32 $0x20, s4;
	s9 =	sadd.s32 $0x800, s10;
	s10 =	sadd.s32 $0x1000, s10  }
.LBB2_7:
0x16: {  	[tilespmem:s31+$0x70] =	vst v0  }
0x17: {  	[tilespmem:s31+$0x0] =	vst v0  }
0x18: {  	[tilespmem:s31+$0x10] =	vst v0  }
0x19: {  	[tilespmem:s31+$0x20] =	vst v0  }
0x1a: {  	[tilespmem:s31+$0x30] =	vst v0  }
0x1b: {  	[tilespmem:s31+$0x40] =	vst v0  }
0x1c: {  	[tilespmem:s31+$0x50] =	vst v0  }
0x1d: {  	[tilespmem:s31+$0x60] =	vst v0  }
0x1e: {  	[spmem:s7] =	stream.linear.scatter [tilespmem:s3], [sflag:$0x6], $0xC00, $0x38;
	[tilespmem:$0xCE00] =	vst v63  }
0x1f: {  	_ =	swait.ge [sflag:s16], $0xC00  }
0x20: {  	[sflag:s16] =	ssyncset.done $0x0  }
0x21: {  	[sflag:s16] =	ssyncadd.s32 $0xFFFFF400  }
0x22: {  	_ =	swait.ge [sflag:s17], $0x80  }
0x23: {  	[sflag:s17] =	ssyncset.done $0x0  }
0x24: {  	[sflag:s17] =	ssyncadd.s32 $0xFFFFFF80  }
0x25: {  	[tilespmem:$0xC000] =	vst v1  }
0x26: {  	[tilespmem:$0xC010] =	vst v1  }
0x27: {  	[tilespmem:$0xC020] =	vst v1  }
0x28: {  	[bflag:$0x0] =	sbarrier.arrive $0xFFFF  }
0x29: {  	[tilespmem:s3], [sflag:$0x1] =	stream.linear.gather [hbm4b:s12+s3], $0x4000, $0x38;
	[tilespmem:$0xCE00] =	vst v63  }
0x2a: {  	_ =	swait.ge [sflag:s18], $0x4000  }
0x2b: {  	[sflag:s18] =	ssyncset.done $0x0  }
0x2c: {  	[sflag:s18] =	ssyncadd.s32 $0xFFFFC000  }
0x2d: {  	[spmem:s2] =	stream.indirect.scatter.add.f32 [tilespmem:s3], [sflag:$0x5], $0x80, s15, s19, $0xb8;
	[tilespmem:$0xCE00] =	vst v63  }
.LBB2_8:
0x2e: {  	_ =	swait.ge [sflag:s20], $0x4000  }
0x2f: {  	s30 =	sadd.s32 $0x1, s30;
	[sflag:s20] =	ssyncset.done $0x0  }
0x30: {  	p1 =	sne.s32 s30, s14;
	[sflag:s20] =	ssyncadd.s32 $0xFFFFC000  }
.Ltmp1:
0x31: {  	[bflag:$0x0] =	sbarrier.arrive $0xFFFF;
	(pc) =	sbr.rel @!p1 .LBB2_9-.Ltmp1, $4  }
0x32: {  	[hbm:s13], [sflag:s21] =	dma.local [spmem:s22], $0x100  }
0x33: {  	_ =	swait.ge [sflag:s16], $0x100  }
0x34: {  	[sflag:s16] =	ssyncset.done $0x0  }
0x35: {  	[sflag:s16] =	ssyncadd.s32 $0xFFFFFF00  }
.LBB2_1:
.Ltmp2:
0x36: {  	(pc) =	sbr.rel @!p0 .LBB2_2-.Ltmp2, $2  }
0x37: {  	_ =	sdelay $0x2  }
0x38: {  	s0 =	simm.s32 $0x0  }
0x39: {  	[tilespmem:s15], [sflag:$0x4] =	stream.linear.gather [hbm4b:s11+s0], $0x80, $0x38;
	[tilespmem:$0xCE00] =	vst v63  }
0x3a: {  	s31 =	simm.s32 $0x0;
	s0 =	simm.s32 $0x200  }
.LBB2_6:
0x3b: {  	p1 =	sne.s32 s0, $0x2E00;
	[tilespmem:s31+$0x70] =	vst v0  }
0x3c: {  	[tilespmem:s31+$0x0] =	vst v0  }
0x3d: {  	[tilespmem:s31+$0x10] =	vst v0  }
.Ltmp3:
0x3e: {  	[tilespmem:s31+$0x20] =	vst v0;
	(pc) =	sbr.rel @p1 .LBB2_6-.Ltmp3, $4  }
0x3f: {  	[tilespmem:s31+$0x30] =	vst v0  }
0x40: {  	[tilespmem:s31+$0x40] =	vst v0  }
0x41: {  	[tilespmem:s31+$0x50] =	vst v0  }
0x42: {  	[tilespmem:s31+$0x60] =	vst v0;
	s31 =	sshra.s32 s0, $0x2;
	s0 =	sadd.s32 $0x200, s0  }
.Ltmp4:
0x43: {  	_ = 	snop;
	(pc) =	sbr.rel .LBB2_7-.Ltmp4, $1  }
0x44: {  	_ =	sdelay $0x3  }
.LBB2_2:
0x45: {  	[tilespmem:s15], [sflag:$0x4] =	stream.linear.gather [hbm4b:s4+s0], $0x80, $0x38;
	[tilespmem:$0xCE00] =	vst v63  }
0x46: {  	_ = 	snop  }
0x47: {  	[tilespmem:s23], [sflag:$0x4] =	stream.linear.gather [hbm4b:s5+s0], $0x80, $0x38;
	[tilespmem:$0xCE00] =	vst v63  }
0x48: {  	_ = 	snop  }
0x49: {  	[tilespmem:s24], [sflag:$0x4] =	stream.linear.gather [hbm4b:s6+s0], $0x80, $0x38;
	[tilespmem:$0xCE00] =	vst v63  }
0x4a: {  	s31 =	simm.s32 $0x0;
	s0 =	simm.s32 $0x200  }
.LBB2_3:
0x4b: {  	p1 =	sne.s32 s0, $0x2E00;
	[tilespmem:s31+$0x70] =	vst v0  }
0x4c: {  	[tilespmem:s31+$0x0] =	vst v0  }
0x4d: {  	[tilespmem:s31+$0x10] =	vst v0  }
.Ltmp5:
0x4e: {  	[tilespmem:s31+$0x20] =	vst v0;
	(pc) =	sbr.rel @p1 .LBB2_3-.Ltmp5, $4  }
0x4f: {  	[tilespmem:s31+$0x30] =	vst v0  }
0x50: {  	[tilespmem:s31+$0x40] =	vst v0  }
0x51: {  	[tilespmem:s31+$0x50] =	vst v0  }
0x52: {  	[tilespmem:s31+$0x60] =	vst v0;
	s31 =	sshra.s32 s0, $0x2;
	s0 =	sadd.s32 $0x200, s0  }
0x53: {  	[tilespmem:s31+$0x70] =	vst v0  }
0x54: {  	[tilespmem:s31+$0x0] =	vst v0  }
0x55: {  	[tilespmem:s31+$0x10] =	vst v0  }
0x56: {  	[tilespmem:s31+$0x20] =	vst v0  }
0x57: {  	[tilespmem:s31+$0x30] =	vst v0  }
0x58: {  	[tilespmem:s31+$0x40] =	vst v0  }
0x59: {  	[tilespmem:s31+$0x50] =	vst v0  }
0x5a: {  	[tilespmem:s31+$0x60] =	vst v0  }
0x5b: {  	[spmem:s7] =	stream.linear.scatter [tilespmem:s3], [sflag:$0x6], $0xC00, $0x38;
	[tilespmem:$0xCE00] =	vst v63  }
0x5c: {  	_ =	swait.ge [sflag:s16], $0xC00  }
0x5d: {  	[sflag:s16] =	ssyncset.done $0x0  }
0x5e: {  	[sflag:s16] =	ssyncadd.s32 $0xFFFFF400  }
0x5f: {  	_ =	swait.ge [sflag:s17], $0x80  }
0x60: {  	[sflag:s17] =	ssyncset.done $0x0  }
0x61: {  	[sflag:s17] =	ssyncadd.s32 $0xFFFFFF80  }
0x62: {  	_ =	swait.ge [sflag:s17], $0x80  }
0x63: {  	[sflag:s17] =	ssyncset.done $0x0  }
0x64: {  	[sflag:s17] =	ssyncadd.s32 $0xFFFFFF80  }
0x65: {  	_ =	swait.ge [sflag:s17], $0x80  }
0x66: {  	[sflag:s17] =	ssyncset.done $0x0  }
0x67: {  	[sflag:s17] =	ssyncadd.s32 $0xFFFFFF80  }
0x68: {  	[tilespmem:$0xC140] =	vst v1  }
0x69: {  	[tilespmem:$0xC150] =	vst v1  }
0x6a: {  	[tilespmem:$0xC160] =	vst v1  }
0x6b: {  	[tilespmem:$0xC170] =	vst v1  }
0x6c: {  	[bflag:$0x0] =	sbarrier.arrive $0xFFFF  }
0x6d: {  	[tilespmem:s3], [sflag:$0x1] =	stream.linear.gather [hbm4b:s8+s3], $0x4000, $0x38;
	[tilespmem:$0xCE00] =	vst v63  }
0x6e: {  	_ = 	snop  }
0x6f: {  	[tilespmem:s25], [sflag:$0x2] =	stream.linear.gather [hbm4b:s9+s3], $0x4000, $0x38;
	[tilespmem:$0xCE00] =	vst v63  }
0x70: {  	_ = 	snop  }
0x71: {  	[tilespmem:s26], [sflag:$0x3] =	stream.linear.gather [hbm4b:s10+s3], $0x4000, $0x38;
	[tilespmem:$0xCE00] =	vst v63  }
0x72: {  	_ =	swait.ge [sflag:s18], $0x4000  }
0x73: {  	[sflag:s18] =	ssyncset.done $0x0  }
0x74: {  	[sflag:s18] =	ssyncadd.s32 $0xFFFFC000  }
0x75: {  	[spmem:s2] =	stream.indirect.scatter.add.f32 [tilespmem:s3], [sflag:$0x5], $0x80, s15, s19, $0xb8;
	[tilespmem:$0xCE00] =	vst v63  }
0x76: {  	_ =	swait.ge [sflag:s28], $0x4000  }
0x77: {  	[sflag:s28] =	ssyncset.done $0x0  }
0x78: {  	[sflag:s28] =	ssyncadd.s32 $0xFFFFC000  }
0x79: {  	[spmem:s2] =	stream.indirect.scatter.add.f32 [tilespmem:s25], [sflag:$0x5], $0x80, s23, s19, $0xb8;
	[tilespmem:$0xCE00] =	vst v63  }
0x7a: {  	_ =	swait.ge [sflag:s29], $0x4000  }
0x7b: {  	[sflag:s29] =	ssyncset.done $0x0  }
0x7c: {  	[sflag:s29] =	ssyncadd.s32 $0xFFFFC000  }
0x7d: {  	[spmem:s2] =	stream.indirect.scatter.add.f32 [tilespmem:s26], [sflag:$0x5], $0x80, s24, s19, $0xb8;
	[tilespmem:$0xCE00] =	vst v63  }
0x7e: {  	_ =	swait.ge [sflag:s20], $0x4000  }
.Ltmp6:
0x7f: {  	[sflag:s20] =	ssyncset.done $0x0;
	(pc) =	sbr.rel .LBB2_8-.Ltmp6, $4  }
0x80: {  	[sflag:s20] =	ssyncadd.s32 $0xFFFFC000  }
0x81: {  	_ =	swait.ge [sflag:s20], $0x4000  }
0x82: {  	[sflag:s20] =	ssyncset.done $0x0  }
0x83: {  	[sflag:s20] =	ssyncadd.s32 $0xFFFFC000  }
.LBB2_9:
0x84: {  	_ =	sfence.sel $0x180000  }
0x85: {  	[bflag:$0x0] =	sbarrier.arrive $0xFFFF  }
0x86: {  	_ =	strace $0x90000047  }
0x87: {  	[bflag:$0x2] =	sbarrier.arrive $0xFFFF  }
0x88: {  	p0 =	sne.s32 s1, $0x0;
	s0 =	rddreg [dreg:$0x4]  }
0x89: {  	s0 =	sadd.s32 @!p0 $0x100000, s0  }
0x8a: {  	[sflag:s0] =	ssyncadd.tile.s32 @!p0 $0x1;
	_ =	shalt  }
.Lfunc_end2:
_tile_overlayer_lowered:
.L_overlay_start_2:
0x8b: {  	(tag) =	ssettag $0x2  }
0x8c: {  	s0 =	rddreg [dreg:$0x0];
	s2 =	stileid.u32  }
0x8d: {  	s1 =	rddreg [dreg:$0x1];
	p0 =	sne.s32 s2, $0x0  }
0x8e: {  	s3 =	rddreg [dreg:$0x2];
	[bflag:$0x3] =	sbarrier.arrive $0xFFFF;
	s2 =	simm.s32 @!p0 $0x1C06  }
0x8f: {  	[timem:s3], [sflag:s2] =	dma.local @!p0 [hbm:s0], s1  }
0x90: {  	s0 =	simm.s32 @!p0 $0x6  }
0x91: {  	_ =	swait.ge @!p0 [sflag:s0], s1  }
0x92: {  	s1 =	ssub.s32 @!p0 $0x0, s1;
	[sflag:s0] =	ssyncset.done @!p0 $0x0  }
0x93: {  	[sflag:s0] =	ssyncadd.s32 @!p0 s1  }
0x94: {  	[bflag:$0x3] =	sbarrier.arrive $0xFFFF  }
0x95: {  	_ =	shalt  }

</sc_bundles>
